<compile_context>
chip_gen: v7x
topology: tpu7x:2x2x1
jax: 0.10.2.dev20260603
libtpu: 0.0.44.dev20260713+nightly
codegen_flags: <defaults>
</compile_context>

<pallas_src>
import jax
import jax.numpy as jnp
from jax import lax
from jax.experimental import pallas as pl
from jax.experimental.pallas import tpu as pltpu
from jax.experimental.pallas import tpu_sc as plsc

_DIM = 96
_D4 = _DIM // 4
_DH = _DIM // 2
_PATCH = 14.0
_NPS = 16
_NP = _NPS * _NPS
_B = 32
_NF = 8192
_L = 16
_ROW = 128
_SAMPLES_PER_STEP = 8
_ROWS = _SAMPLES_PER_STEP * _NP


def _sc_hist(pix_hbm, pers_hbm, h_hbm,
             px_v, py_v, p0_v, p1_v, p2_v, h_v, sem):
    c = lax.axis_index("c")
    s = lax.axis_index("s")
    wid = s * 2 + c
    base = wid * _NF
    bnf = _B * _NF

    cps = [
        pltpu.async_copy(pix_hbm.at[pl.ds(base, _NF)], px_v, sem),
        pltpu.async_copy(pix_hbm.at[pl.ds(bnf + base, _NF)], py_v, sem),
        pltpu.async_copy(pers_hbm.at[pl.ds(base, _NF)], p0_v, sem),
        pltpu.async_copy(pers_hbm.at[pl.ds(bnf + base, _NF)], p1_v, sem),
        pltpu.async_copy(pers_hbm.at[pl.ds(2 * bnf + base, _NF)], p2_v, sem),
    ]

    zz = jnp.zeros((_L,), jnp.float32)

    @plsc.parallel_loop(0, _NP, unroll=8)
    def _zero(b):
        o = b * _ROW
        h_v[pl.ds(o, _L)] = zz
        h_v[pl.ds(o + _L, _L)] = zz
        h_v[pl.ds(o + 2 * _L, _L)] = zz

    for cp in cps:
        cp.wait()

    lanes = lax.iota(jnp.int32, _L)

    @plsc.parallel_loop(0, _NF // _L, unroll=8)
    def _acc(i):
        o = i * _L
        x = px_v[pl.ds(o, _L)]
        y = py_v[pl.ds(o, _L)]
        a0 = p0_v[pl.ds(o, _L)]
        a1 = p1_v[pl.ds(o, _L)]
        a2 = p2_v[pl.ds(o, _L)]
        vf = jnp.sign(x + y + a0 + a1 + a2)
        ix = jnp.minimum(x / _PATCH, float(_NPS - 1)).astype(jnp.int32)
        iy = jnp.minimum(y / _PATCH, float(_NPS - 1)).astype(jnp.int32)
        addr = (iy * _NPS + ix) * _ROW + lanes
        plsc.addupdate_scatter(h_v, [addr], a0)
        plsc.addupdate_scatter(h_v, [addr + _L], a2)
        plsc.addupdate_scatter(h_v, [addr + 2 * _L], vf)

    hsz = _NP * _ROW
    pltpu.sync_copy(h_v, h_hbm.at[pl.ds(wid * hsz, hsz)])


def _tc_dense(h_ref, sp_ref, b1r_ref, b1b_ref, b2w_ref,
              b2b_ref, p1r_ref, p1b_ref, p2w_ref, p2b_ref,
              fws_ref, fwb_ref, fwp_ref, fb_ref, lng_ref, lnb_ref, out_ref,
              m_sc, base_sc):
    @pl.when(pl.program_id(0) == 0)
    def _fold():
        mb = lax.dot_general(b2w_ref[:], fwb_ref[:], (((0,), (1,)), ((), ())),
                             preferred_element_type=jnp.float32)
        mp = lax.dot_general(p2w_ref[:], fwp_ref[:], (((0,), (1,)), ((), ())),
                             preferred_element_type=jnp.float32)
        m_sc[...] = jnp.concatenate([mb, mp], axis=0)
        cb = lax.dot_general(b2b_ref[:], fwb_ref[:], (((1,), (1,)), ((), ())),
                             preferred_element_type=jnp.float32)
        cp = lax.dot_general(p2b_ref[:], fwp_ref[:], (((1,), (1,)), ((), ())),
                             preferred_element_type=jnp.float32)
        base_sc[...] = (
            lax.dot_general(sp_ref[:], fws_ref[:], (((1,), (1,)), ((), ())),
                            preferred_element_type=jnp.float32)
            + fb_ref[:] + cb + cp)

    hrow = h_ref[...]
    cnt = jnp.sum(hrow[:, 2 * _L:3 * _L], axis=-1, keepdims=True)
    mask = cnt > 0.0
    sf = jnp.where(mask, cnt, 1.0)
    pb = jnp.where(mask,
                   jnp.sum(hrow[:, :_L], axis=-1, keepdims=True) / sf, 0.0)
    pp = jnp.where(mask,
                   jnp.sum(hrow[:, _L:2 * _L], axis=-1, keepdims=True) / sf,
                   0.0)

    hb = jnp.maximum(pb * b1r_ref[:] + b1b_ref[:], 0.0)
    hp = jnp.maximum(pp * p1r_ref[:] + p1b_ref[:], 0.0)
    h = jnp.concatenate([hb, hp], axis=-1)

    xf = lax.dot_general(h, m_sc[...], (((1,), (0,)), ((), ())),
                         preferred_element_type=jnp.float32)
    x = xf.reshape(_SAMPLES_PER_STEP, _NP, _DIM) + base_sc[...][None, :, :]
    mu = jnp.mean(x, axis=-1, keepdims=True)
    d = x - mu
    var = jnp.mean(d * d, axis=-1, keepdims=True)
    xn = d * lax.rsqrt(var + 1e-5)
    out_ref[...] = jnp.tanh(xn * lng_ref[:] + lnb_ref[:])


def kernel(persistence_coords, pixel_coords, spatial_pos, b1_w, b1_b, b2_w,
           b2_b, p1_w, p1_b, p2_w, p2_b, f_w, f_b, ln_g, ln_b, batch_size):
    del batch_size

    pix_t = jnp.moveaxis(pixel_coords, -1, 0).reshape(-1)
    pers_t = jnp.moveaxis(persistence_coords, -1, 0).reshape(-1)

    mesh = plsc.VectorSubcoreMesh(core_axis_name="c", subcore_axis_name="s")
    h_flat = pl.kernel(
        _sc_hist,
        out_type=jax.ShapeDtypeStruct((_B * _NP * _ROW,), jnp.float32),
        mesh=mesh,
        compiler_params=pltpu.CompilerParams(needs_layout_passes=False),
        scratch_types=[
            pltpu.VMEM((_NF,), jnp.float32),
            pltpu.VMEM((_NF,), jnp.float32),
            pltpu.VMEM((_NF,), jnp.float32),
            pltpu.VMEM((_NF,), jnp.float32),
            pltpu.VMEM((_NF,), jnp.float32),
            pltpu.VMEM((_NP * _ROW,), jnp.float32),
            pltpu.SemaphoreType.DMA,
        ],
    )(pix_t, pers_t)

    h2 = h_flat.reshape(_B * _NP, _ROW)

    sp = spatial_pos.reshape(_NP, _DH)
    b1r = b1_w.reshape(1, _D4)
    b1br = b1_b.reshape(1, _D4)
    p1r = p1_w.reshape(1, _D4)
    p1br = p1_b.reshape(1, _D4)
    b2br = b2_b.reshape(1, _D4)
    p2br = p2_b.reshape(1, _D4)
    fws = f_w[:, :_DH]
    fwb = f_w[:, _DH:_DH + _D4]
    fwp = f_w[:, _DH + _D4:]
    fbr = f_b.reshape(1, _DIM)
    lngr = ln_g.reshape(1, _DIM)
    lnbr = ln_b.reshape(1, _DIM)

    full = lambda i: (0, 0)
    out = pl.pallas_call(
        _tc_dense,
        grid=(_B // _SAMPLES_PER_STEP,),
        in_specs=[
            pl.BlockSpec((_ROWS, _ROW), lambda i: (i, 0)),
            pl.BlockSpec((_NP, _DH), full),
            pl.BlockSpec((1, _D4), full),
            pl.BlockSpec((1, _D4), full),
            pl.BlockSpec((_D4, _D4), full),
            pl.BlockSpec((1, _D4), full),
            pl.BlockSpec((1, _D4), full),
            pl.BlockSpec((1, _D4), full),
            pl.BlockSpec((_D4, _D4), full),
            pl.BlockSpec((1, _D4), full),
            pl.BlockSpec((_DIM, _DH), full),
            pl.BlockSpec((_DIM, _D4), full),
            pl.BlockSpec((_DIM, _D4), full),
            pl.BlockSpec((1, _DIM), full),
            pl.BlockSpec((1, _DIM), full),
            pl.BlockSpec((1, _DIM), full),
        ],
        out_specs=pl.BlockSpec((_SAMPLES_PER_STEP, _NP, _DIM),
                               lambda i: (i, 0, 0)),
        out_shape=jax.ShapeDtypeStruct((_B, _NP, _DIM), jnp.float32),
        scratch_shapes=[
            pltpu.VMEM((_DH, _DIM), jnp.float32),
            pltpu.VMEM((_NP, _DIM), jnp.float32),
        ],
    )(h2, sp, b1r, b1br, b2_w, b2br, p1r, p1br, p2_w, p2br,
      fws, fwb, fwp, fbr, lngr, lnbr)
    return out

# --- scband reference (transcript-rebuilt; emitter-appended) ---
"""Pipeline reference for scband-persistence-weighted-positional-encoding-29841432773259 (READ-ONLY COPY).

The authoritative reference and input builder live on the scoring server;
editing this copy changes nothing except your own understanding.
"""

import jax, jax.numpy as jnp
import numpy as np

DIM = 96
IMAGE_SIZE = 224
PATCH_SIZE = 14
NP_SIDE = IMAGE_SIZE // PATCH_SIZE  # 16
NUM_PATCHES = NP_SIDE * NP_SIDE     # 256
B = 32
NF = 8192


def _linear_params(k, out_f, in_f):
    bound = 1.0 / np.sqrt(in_f)
    kw, kb = jax.random.split(k)
    w = jax.random.uniform(kw, (out_f, in_f), minval=-bound, maxval=bound, dtype=jnp.float32)
    b = jax.random.uniform(kb, (out_f,), minval=-bound, maxval=bound, dtype=jnp.float32)
    return w, b


def setup_inputs(seed: int = 0) -> dict:
    key = jax.random.key(seed)
    ks = jax.random.split(key, 9)
    d4 = DIM // 4
    persistence_coords = jax.random.uniform(ks[0], (B, NF, 3), dtype=jnp.float32)
    pixel_coords = jax.random.uniform(ks[1], (B, NF, 2), dtype=jnp.float32) * IMAGE_SIZE
    spatial_pos = jax.random.normal(ks[2], (1, NUM_PATCHES, DIM // 2), dtype=jnp.float32)
    b1_w, b1_b = _linear_params(ks[3], d4, 1)
    b2_w, b2_b = _linear_params(ks[4], d4, d4)
    p1_w, p1_b = _linear_params(ks[5], d4, 1)
    p2_w, p2_b = _linear_params(ks[6], d4, d4)
    f_w, f_b = _linear_params(ks[7], DIM, DIM)
    ln_g = jnp.ones((DIM,), dtype=jnp.float32)
    ln_b = jnp.zeros((DIM,), dtype=jnp.float32)
    return {
        "persistence_coords": persistence_coords,
        "pixel_coords": pixel_coords,
        "spatial_pos": spatial_pos,
        "b1_w": b1_w, "b1_b": b1_b, "b2_w": b2_w, "b2_b": b2_b,
        "p1_w": p1_w, "p1_b": p1_b, "p2_w": p2_w, "p2_b": p2_b,
        "f_w": f_w, "f_b": f_b, "ln_g": ln_g, "ln_b": ln_b,
        "batch_size": B,
    }


def reference(persistence_coords, pixel_coords, spatial_pos,
              b1_w, b1_b, b2_w, b2_b, p1_w, p1_b, p2_w, p2_b,
              f_w, f_b, ln_g, ln_b, batch_size):
    def per_sample(pers, pix):
        # skip rows where pixel coords AND persistence coords are all zero
        zero_pix = jnp.all(pix == 0, axis=-1)
        zero_pers = jnp.all(pers == 0, axis=-1)
        valid = jnp.logical_not(jnp.logical_and(zero_pix, zero_pers))
        vf = valid.astype(jnp.float32)
        # patch assignment: clamp(x/patch, 0, w-1) then truncate (values >= 0)
        px = jnp.clip(pix[:, 0] / PATCH_SIZE, 0, NP_SIDE - 1).astype(jnp.int32)
        py = jnp.clip(pix[:, 1] / PATCH_SIZE, 0, NP_SIDE - 1).astype(jnp.int32)
        idx = py * NP_SIDE + px
        birth = pers[:, 0] * vf
        persv = pers[:, 2] * vf
        birth_sum = jnp.zeros((NUM_PATCHES,), jnp.float32).at[idx].add(birth)
        pers_sum = jnp.zeros((NUM_PATCHES,), jnp.float32).at[idx].add(persv)
        count = jnp.zeros((NUM_PATCHES,), jnp.float32).at[idx].add(vf)
        mask = count > 0
        safe = jnp.where(mask, count, 1.0)
        patch_birth = jnp.where(mask, birth_sum / safe, 0.0)[:, None]
        patch_pers = jnp.where(mask, pers_sum / safe, 0.0)[:, None]
        birth_enc = jax.nn.relu(patch_birth @ b1_w.T + b1_b) @ b2_w.T + b2_b
        pers_enc = jax.nn.relu(patch_pers @ p1_w.T + p1_b) @ p2_w.T + p2_b
        return jnp.concatenate([birth_enc, pers_enc], axis=-1)

    persistence_enc = jax.vmap(per_sample)(persistence_coords, pixel_coords)
    batch_static = persistence_coords.shape[0]
    spatial_enc = jnp.broadcast_to(spatial_pos, (batch_static, NUM_PATCHES, spatial_pos.shape[-1]))
    combined = jnp.concatenate([spatial_enc, persistence_enc], axis=-1)
    combined = combined + jnp.asarray(batch_size, jnp.float32) * 0.0
    x = combined @ f_w.T + f_b
    mu = jnp.mean(x, axis=-1, keepdims=True)
    var = jnp.var(x, axis=-1, keepdims=True)
    xn = (x - mu) / jnp.sqrt(var + 1e-5)
    return jnp.tanh(xn * ln_g + ln_b)

if __name__ == "__main__":
    import jax
    _d = setup_inputs()
    print(jax.jit(kernel)(*tuple(_d.values())))

</pallas_src>

<mosaic_0001>
#map = affine_map<(d0, d1) -> (0)>
module attributes {stable_mosaic.version = 14 : i64} {
  func.func @_sc_hist(%arg0: i32, %arg1: i32, %arg2: memref<524288xf32, #tpu.memory_space<hbm>>, %arg3: memref<786432xf32, #tpu.memory_space<hbm>>, %arg4: memref<1048576xf32, #tpu.memory_space<hbm>>, %arg5: memref<8192xf32, #tpu.memory_space<vmem>>, %arg6: memref<8192xf32, #tpu.memory_space<vmem>>, %arg7: memref<8192xf32, #tpu.memory_space<vmem>>, %arg8: memref<8192xf32, #tpu.memory_space<vmem>>, %arg9: memref<8192xf32, #tpu.memory_space<vmem>>, %arg10: memref<32768xf32, #tpu.memory_space<vmem>>, %arg11: memref<!tpu.dma_semaphore, #tpu.memory_space<semaphore_mem>>) attributes {dimension_semantics = [#tpu.dimension_semantics<core_parallel>, #tpu.dimension_semantics<subcore_parallel>], iteration_bounds = array<i64: 2, 16>, scalar_prefetch = 0 : i64, scratch_operands = 7 : i64, tpu.core_type = #tpu.core_type<sc_vector_subcore>, window_params = [{transform_indices = #map}, {transform_indices = #map}, {transform_indices = #map}]} {
    %mul3A = arith.constant 2 : i32
    %mul3A_0 = arith.muli %arg1, %mul3A : i32
    %add3A = arith.addi %mul3A_0, %arg0 : i32
    %mul3A_1 = arith.constant 8192 : i32
    %mul3A_2 = arith.muli %add3A, %mul3A_1 : i32
    %dma_start3A = tpu.memref_slice %arg2[%mul3A_2] : memref<524288xf32, #tpu.memory_space<hbm>> -> memref<8192xf32, #tpu.memory_space<hbm>>
    %dma_start3A_3 = tpu.memref_slice %arg2[%mul3A_2] : memref<524288xf32, #tpu.memory_space<hbm>> -> memref<8192xf32, #tpu.memory_space<hbm>>
    tpu.enqueue_dma source(%dma_start3A_3 : memref<8192xf32, #tpu.memory_space<hbm>>) target(%arg5 : memref<8192xf32, #tpu.memory_space<vmem>>) target_semaphore(%arg11 : memref<!tpu.dma_semaphore, #tpu.memory_space<semaphore_mem>>)
    %add3A_4 = arith.constant 262144 : i32
    %add3A_5 = arith.addi %add3A_4, %mul3A_2 : i32
    %dma_start3A_6 = tpu.memref_slice %arg2[%add3A_5] : memref<524288xf32, #tpu.memory_space<hbm>> -> memref<8192xf32, #tpu.memory_space<hbm>>
    %dma_start3A_7 = tpu.memref_slice %arg2[%add3A_5] : memref<524288xf32, #tpu.memory_space<hbm>> -> memref<8192xf32, #tpu.memory_space<hbm>>
    tpu.enqueue_dma source(%dma_start3A_7 : memref<8192xf32, #tpu.memory_space<hbm>>) target(%arg6 : memref<8192xf32, #tpu.memory_space<vmem>>) target_semaphore(%arg11 : memref<!tpu.dma_semaphore, #tpu.memory_space<semaphore_mem>>)
    %dma_start3A_8 = tpu.memref_slice %arg3[%mul3A_2] : memref<786432xf32, #tpu.memory_space<hbm>> -> memref<8192xf32, #tpu.memory_space<hbm>>
    %dma_start3A_9 = tpu.memref_slice %arg3[%mul3A_2] : memref<786432xf32, #tpu.memory_space<hbm>> -> memref<8192xf32, #tpu.memory_space<hbm>>
    tpu.enqueue_dma source(%dma_start3A_9 : memref<8192xf32, #tpu.memory_space<hbm>>) target(%arg7 : memref<8192xf32, #tpu.memory_space<vmem>>) target_semaphore(%arg11 : memref<!tpu.dma_semaphore, #tpu.memory_space<semaphore_mem>>)
    %add3A_10 = arith.constant 262144 : i32
    %add3A_11 = arith.addi %add3A_10, %mul3A_2 : i32
    %dma_start3A_12 = tpu.memref_slice %arg3[%add3A_11] : memref<786432xf32, #tpu.memory_space<hbm>> -> memref<8192xf32, #tpu.memory_space<hbm>>
    %dma_start3A_13 = tpu.memref_slice %arg3[%add3A_11] : memref<786432xf32, #tpu.memory_space<hbm>> -> memref<8192xf32, #tpu.memory_space<hbm>>
    tpu.enqueue_dma source(%dma_start3A_13 : memref<8192xf32, #tpu.memory_space<hbm>>) target(%arg8 : memref<8192xf32, #tpu.memory_space<vmem>>) target_semaphore(%arg11 : memref<!tpu.dma_semaphore, #tpu.memory_space<semaphore_mem>>)
    %add3A_14 = arith.constant 524288 : i32
    %add3A_15 = arith.addi %add3A_14, %mul3A_2 : i32
    %dma_start3A_16 = tpu.memref_slice %arg3[%add3A_15] : memref<786432xf32, #tpu.memory_space<hbm>> -> memref<8192xf32, #tpu.memory_space<hbm>>
    %dma_start3A_17 = tpu.memref_slice %arg3[%add3A_15] : memref<786432xf32, #tpu.memory_space<hbm>> -> memref<8192xf32, #tpu.memory_space<hbm>>
    tpu.enqueue_dma source(%dma_start3A_17 : memref<8192xf32, #tpu.memory_space<hbm>>) target(%arg9 : memref<8192xf32, #tpu.memory_space<vmem>>) target_semaphore(%arg11 : memref<!tpu.dma_semaphore, #tpu.memory_space<semaphore_mem>>)
    %broadcast_in_dim3A = arith.constant 0.000000e+00 : f32
    %broadcast_in_dim3A_18 = vector.broadcast %broadcast_in_dim3A : f32 to vector<16xf32>
    %parallel_loop3A = arith.constant 0 : i32
    %parallel_loop3A_19 = arith.constant 256 : i32
    %parallel_loop3A_20 = arith.constant 1 : i32
    scf.for %parallel_loop3A_35 = %parallel_loop3A to %parallel_loop3A_19 step %parallel_loop3A_20  : i32 {
      %parallel_loop3A_36 = arith.constant 128 : i32
      %parallel_loop3A_37 = arith.muli %parallel_loop3A_35, %parallel_loop3A_36 : i32
      %parallel_loop3A_38 = arith.index_cast %parallel_loop3A_37 : i32 to index
      %parallel_loop3A_39 = tpu.vector_load %arg10[%parallel_loop3A_38] {strides = array<i32>} : memref<32768xf32, #tpu.memory_space<vmem>>, vector<16xf32>,
      tpu.vector_store %arg10[%parallel_loop3A_38], %broadcast_in_dim3A_18 {strides = array<i32>} : memref<32768xf32, #tpu.memory_space<vmem>>, vector<16xf32>,
      %parallel_loop3A_40 = arith.constant 16 : i32
      %parallel_loop3A_41 = arith.addi %parallel_loop3A_37, %parallel_loop3A_40 : i32
      %parallel_loop3A_42 = arith.index_cast %parallel_loop3A_41 : i32 to index
      %parallel_loop3A_43 = tpu.vector_load %arg10[%parallel_loop3A_42] {strides = array<i32>} : memref<32768xf32, #tpu.memory_space<vmem>>, vector<16xf32>,
      tpu.vector_store %arg10[%parallel_loop3A_42], %broadcast_in_dim3A_18 {strides = array<i32>} : memref<32768xf32, #tpu.memory_space<vmem>>, vector<16xf32>,
      %parallel_loop3A_44 = arith.constant 32 : i32
      %parallel_loop3A_45 = arith.addi %parallel_loop3A_37, %parallel_loop3A_44 : i32
      %parallel_loop3A_46 = arith.index_cast %parallel_loop3A_45 : i32 to index
      %parallel_loop3A_47 = tpu.vector_load %arg10[%parallel_loop3A_46] {strides = array<i32>} : memref<32768xf32, #tpu.memory_space<vmem>>, vector<16xf32>,
      tpu.vector_store %arg10[%parallel_loop3A_46], %broadcast_in_dim3A_18 {strides = array<i32>} : memref<32768xf32, #tpu.memory_space<vmem>>, vector<16xf32>,
    } {sc.loop_unroll_factor = 8 : i64, sc.parallel_access}
    %dma_wait3A = tpu.memref_slice %arg2[%mul3A_2] : memref<524288xf32, #tpu.memory_space<hbm>> -> memref<8192xf32, #tpu.memory_space<hbm>>
    %dma_wait3A_21 = tpu.memref_slice %arg2[%mul3A_2] : memref<524288xf32, #tpu.memory_space<hbm>> -> memref<8192xf32, #tpu.memory_space<hbm>>
    tpu.wait_dma2 semaphore(%arg11 : memref<!tpu.dma_semaphore, #tpu.memory_space<semaphore_mem>>) src(%dma_wait3A_21 : memref<8192xf32, #tpu.memory_space<hbm>>) dst(%arg5 : memref<8192xf32, #tpu.memory_space<vmem>>)
    %dma_wait3A_22 = tpu.memref_slice %arg2[%add3A_5] : memref<524288xf32, #tpu.memory_space<hbm>> -> memref<8192xf32, #tpu.memory_space<hbm>>
    %dma_wait3A_23 = tpu.memref_slice %arg2[%add3A_5] : memref<524288xf32, #tpu.memory_space<hbm>> -> memref<8192xf32, #tpu.memory_space<hbm>>
    tpu.wait_dma2 semaphore(%arg11 : memref<!tpu.dma_semaphore, #tpu.memory_space<semaphore_mem>>) src(%dma_wait3A_23 : memref<8192xf32, #tpu.memory_space<hbm>>) dst(%arg6 : memref<8192xf32, #tpu.memory_space<vmem>>)
    %dma_wait3A_24 = tpu.memref_slice %arg3[%mul3A_2] : memref<786432xf32, #tpu.memory_space<hbm>> -> memref<8192xf32, #tpu.memory_space<hbm>>
    %dma_wait3A_25 = tpu.memref_slice %arg3[%mul3A_2] : memref<786432xf32, #tpu.memory_space<hbm>> -> memref<8192xf32, #tpu.memory_space<hbm>>
    tpu.wait_dma2 semaphore(%arg11 : memref<!tpu.dma_semaphore, #tpu.memory_space<semaphore_mem>>) src(%dma_wait3A_25 : memref<8192xf32, #tpu.memory_space<hbm>>) dst(%arg7 : memref<8192xf32, #tpu.memory_space<vmem>>)
    %dma_wait3A_26 = tpu.memref_slice %arg3[%add3A_11] : memref<786432xf32, #tpu.memory_space<hbm>> -> memref<8192xf32, #tpu.memory_space<hbm>>
    %dma_wait3A_27 = tpu.memref_slice %arg3[%add3A_11] : memref<786432xf32, #tpu.memory_space<hbm>> -> memref<8192xf32, #tpu.memory_space<hbm>>
    tpu.wait_dma2 semaphore(%arg11 : memref<!tpu.dma_semaphore, #tpu.memory_space<semaphore_mem>>) src(%dma_wait3A_27 : memref<8192xf32, #tpu.memory_space<hbm>>) dst(%arg8 : memref<8192xf32, #tpu.memory_space<vmem>>)
    %dma_wait3A_28 = tpu.memref_slice %arg3[%add3A_15] : memref<786432xf32, #tpu.memory_space<hbm>> -> memref<8192xf32, #tpu.memory_space<hbm>>
    %dma_wait3A_29 = tpu.memref_slice %arg3[%add3A_15] : memref<786432xf32, #tpu.memory_space<hbm>> -> memref<8192xf32, #tpu.memory_space<hbm>>
    tpu.wait_dma2 semaphore(%arg11 : memref<!tpu.dma_semaphore, #tpu.memory_space<semaphore_mem>>) src(%dma_wait3A_29 : memref<8192xf32, #tpu.memory_space<hbm>>) dst(%arg9 : memref<8192xf32, #tpu.memory_space<vmem>>)
    %iota3A = tpu.iota {dimensions = array<i32: 0>} : vector<16xi32>
    %parallel_loop3A_30 = arith.constant 0 : i32
    %parallel_loop3A_31 = arith.constant 512 : i32
    %parallel_loop3A_32 = arith.constant 1 : i32
    scf.for %parallel_loop3A_35 = %parallel_loop3A_30 to %parallel_loop3A_31 step %parallel_loop3A_32  : i32 {
      %parallel_loop3A_36 = arith.constant 16 : i32
      %parallel_loop3A_37 = arith.muli %parallel_loop3A_35, %parallel_loop3A_36 : i32
      %parallel_loop3A_38 = arith.index_cast %parallel_loop3A_37 : i32 to index
      %parallel_loop3A_39 = tpu.vector_load %arg5[%parallel_loop3A_38] {strides = array<i32>} : memref<8192xf32, #tpu.memory_space<vmem>>, vector<16xf32>,
      %parallel_loop3A_40 = arith.index_cast %parallel_loop3A_37 : i32 to index
      %parallel_loop3A_41 = tpu.vector_load %arg6[%parallel_loop3A_40] {strides = array<i32>} : memref<8192xf32, #tpu.memory_space<vmem>>, vector<16xf32>,
      %parallel_loop3A_42 = arith.index_cast %parallel_loop3A_37 : i32 to index
      %parallel_loop3A_43 = tpu.vector_load %arg7[%parallel_loop3A_42] {strides = array<i32>} : memref<8192xf32, #tpu.memory_space<vmem>>, vector<16xf32>,
      %parallel_loop3A_44 = arith.index_cast %parallel_loop3A_37 : i32 to index
      %parallel_loop3A_45 = tpu.vector_load %arg8[%parallel_loop3A_44] {strides = array<i32>} : memref<8192xf32, #tpu.memory_space<vmem>>, vector<16xf32>,
      %parallel_loop3A_46 = arith.index_cast %parallel_loop3A_37 : i32 to index
      %parallel_loop3A_47 = tpu.vector_load %arg9[%parallel_loop3A_46] {strides = array<i32>} : memref<8192xf32, #tpu.memory_space<vmem>>, vector<16xf32>,
      %parallel_loop3A_48 = arith.addf %parallel_loop3A_39, %parallel_loop3A_41 : vector<16xf32>
      %parallel_loop3A_49 = arith.addf %parallel_loop3A_48, %parallel_loop3A_43 : vector<16xf32>
      %parallel_loop3A_50 = arith.addf %parallel_loop3A_49, %parallel_loop3A_45 : vector<16xf32>
      %parallel_loop3A_51 = arith.addf %parallel_loop3A_50, %parallel_loop3A_47 : vector<16xf32>
      %parallel_loop3A_52 = tpu.bitcast %parallel_loop3A_51 : vector<16xf32> -> vector<16xi32>
      %parallel_loop3A_53 = arith.constant -2147483648 : i32
      %parallel_loop3A_54 = vector.broadcast %parallel_loop3A_53 : i32 to vector<16xi32>
      %parallel_loop3A_55 = arith.andi %parallel_loop3A_52, %parallel_loop3A_54 : vector<16xi32>
      %parallel_loop3A_56 = arith.constant 1065353216 : i32
      %parallel_loop3A_57 = vector.broadcast %parallel_loop3A_56 : i32 to vector<16xi32>
      %parallel_loop3A_58 = arith.ori %parallel_loop3A_57, %parallel_loop3A_55 : vector<16xi32>
      %parallel_loop3A_59 = tpu.bitcast %parallel_loop3A_58 : vector<16xi32> -> vector<16xf32>
      %parallel_loop3A_60 = math.absf %parallel_loop3A_51 : vector<16xf32>
      %parallel_loop3A_61 = arith.constant 0.000000e+00 : f32
      %parallel_loop3A_62 = vector.broadcast %parallel_loop3A_61 : f32 to vector<16xf32>
      %parallel_loop3A_63 = arith.cmpf ogt, %parallel_loop3A_60, %parallel_loop3A_62 : vector<16xf32>
      %parallel_loop3A_64 = arith.select %parallel_loop3A_63, %parallel_loop3A_59, %parallel_loop3A_51 : vector<16xi1>, vector<16xf32>
      %parallel_loop3A_65 = arith.constant 1.400000e+01 : f32
      %parallel_loop3A_66 = vector.broadcast %parallel_loop3A_65 : f32 to vector<16xf32>
      %parallel_loop3A_67 = arith.divf %parallel_loop3A_39, %parallel_loop3A_66 : vector<16xf32>
      %parallel_loop3A_68 = arith.constant 1.500000e+01 : f32
      %parallel_loop3A_69 = vector.broadcast %parallel_loop3A_68 : f32 to vector<16xf32>
      %parallel_loop3A_70 = arith.minimumf %parallel_loop3A_67, %parallel_loop3A_69 : vector<16xf32>
      %parallel_loop3A_71 = arith.fptosi %parallel_loop3A_70 : vector<16xf32> to vector<16xi32>
      %parallel_loop3A_72 = arith.constant 1.400000e+01 : f32
      %parallel_loop3A_73 = vector.broadcast %parallel_loop3A_72 : f32 to vector<16xf32>
      %parallel_loop3A_74 = arith.divf %parallel_loop3A_41, %parallel_loop3A_73 : vector<16xf32>
      %parallel_loop3A_75 = arith.constant 1.500000e+01 : f32
      %parallel_loop3A_76 = vector.broadcast %parallel_loop3A_75 : f32 to vector<16xf32>
      %parallel_loop3A_77 = arith.minimumf %parallel_loop3A_74, %parallel_loop3A_76 : vector<16xf32>
      %parallel_loop3A_78 = arith.fptosi %parallel_loop3A_77 : vector<16xf32> to vector<16xi32>
      %parallel_loop3A_79 = arith.constant 16 : i32
      %parallel_loop3A_80 = vector.broadcast %parallel_loop3A_79 : i32 to vector<16xi32>
      %parallel_loop3A_81 = arith.muli %parallel_loop3A_78, %parallel_loop3A_80 : vector<16xi32>
      %parallel_loop3A_82 = arith.addi %parallel_loop3A_81, %parallel_loop3A_71 : vector<16xi32>
      %parallel_loop3A_83 = arith.constant 128 : i32
      %parallel_loop3A_84 = vector.broadcast %parallel_loop3A_83 : i32 to vector<16xi32>
      %parallel_loop3A_85 = arith.muli %parallel_loop3A_82, %parallel_loop3A_84 : vector<16xi32>
      %parallel_loop3A_86 = arith.addi %parallel_loop3A_85, %iota3A : vector<16xi32>
      tpu.vector_store_idx %arg10[%parallel_loop3A_86], %parallel_loop3A_43 {add = true} : memref<32768xf32, #tpu.memory_space<vmem>>[vector<16xi32>], vector<16xf32>,
      %parallel_loop3A_87 = arith.constant 16 : i32
      %parallel_loop3A_88 = vector.broadcast %parallel_loop3A_87 : i32 to vector<16xi32>
      %parallel_loop3A_89 = arith.addi %parallel_loop3A_86, %parallel_loop3A_88 : vector<16xi32>
      tpu.vector_store_idx %arg10[%parallel_loop3A_89], %parallel_loop3A_47 {add = true} : memref<32768xf32, #tpu.memory_space<vmem>>[vector<16xi32>], vector<16xf32>,
      %parallel_loop3A_90 = arith.constant 32 : i32
      %parallel_loop3A_91 = vector.broadcast %parallel_loop3A_90 : i32 to vector<16xi32>
      %parallel_loop3A_92 = arith.addi %parallel_loop3A_86, %parallel_loop3A_91 : vector<16xi32>
      tpu.vector_store_idx %arg10[%parallel_loop3A_92], %parallel_loop3A_64 {add = true} : memref<32768xf32, #tpu.memory_space<vmem>>[vector<16xi32>], vector<16xf32>,
    } {sc.loop_unroll_factor = 8 : i64, sc.parallel_access}
    %mul3A_33 = arith.constant 32768 : i32
    %mul3A_34 = arith.muli %add3A, %mul3A_33 : i32
    "tpu.region"() ({
      %run_scoped3A = tpu.sem_alloc : memref<!tpu.dma_semaphore, #tpu.memory_space<semaphore_mem>>
      %dma_start3A_35 = tpu.memref_slice %arg4[%mul3A_34] : memref<1048576xf32, #tpu.memory_space<hbm>> -> memref<32768xf32, #tpu.memory_space<hbm>>
      %dma_start3A_36 = tpu.memref_slice %arg4[%mul3A_34] : memref<1048576xf32, #tpu.memory_space<hbm>> -> memref<32768xf32, #tpu.memory_space<hbm>>
      tpu.enqueue_dma source(%arg10 : memref<32768xf32, #tpu.memory_space<vmem>>) target(%dma_start3A_36 : memref<32768xf32, #tpu.memory_space<hbm>>) target_semaphore(%run_scoped3A : memref<!tpu.dma_semaphore, #tpu.memory_space<semaphore_mem>>)
      %dma_wait3A_37 = tpu.memref_slice %arg4[%mul3A_34] : memref<1048576xf32, #tpu.memory_space<hbm>> -> memref<32768xf32, #tpu.memory_space<hbm>>
      %dma_wait3A_38 = tpu.memref_slice %arg4[%mul3A_34] : memref<1048576xf32, #tpu.memory_space<hbm>> -> memref<32768xf32, #tpu.memory_space<hbm>>
      tpu.wait_dma2 semaphore(%run_scoped3A : memref<!tpu.dma_semaphore, #tpu.memory_space<semaphore_mem>>) src(%arg10 : memref<32768xf32, #tpu.memory_space<vmem>>) dst(%dma_wait3A_38 : memref<32768xf32, #tpu.memory_space<hbm>>)
      tpu.yield
    }) : () -> ()
    return
  }
}

module attributes {stable_mosaic.version = 14 : i64} {
  func.func @_tc_dense(%arg0: i32, %arg1: memref<2048x128xf32, #tpu.memory_space<vmem>>, %arg2: memref<256x48xf32, #tpu.memory_space<vmem>>, %arg3: memref<1x24xf32, #tpu.memory_space<vmem>>, %arg4: memref<1x24xf32, #tpu.memory_space<vmem>>, %arg5: memref<24x24xf32, #tpu.memory_space<vmem>>, %arg6: memref<1x24xf32, #tpu.memory_space<vmem>>, %arg7: memref<1x24xf32, #tpu.memory_space<vmem>>, %arg8: memref<1x24xf32, #tpu.memory_space<vmem>>, %arg9: memref<24x24xf32, #tpu.memory_space<vmem>>, %arg10: memref<1x24xf32, #tpu.memory_space<vmem>>, %arg11: memref<96x48xf32, #tpu.memory_space<vmem>>, %arg12: memref<96x24xf32, #tpu.memory_space<vmem>>, %arg13: memref<96x24xf32, #tpu.memory_space<vmem>>, %arg14: memref<1x96xf32, #tpu.memory_space<vmem>>, %arg15: memref<1x96xf32, #tpu.memory_space<vmem>>, %arg16: memref<1x96xf32, #tpu.memory_space<vmem>>, %arg17: memref<8x256x96xf32, #tpu.memory_space<vmem>>, %arg18: memref<48x96xf32, #tpu.memory_space<vmem>>, %arg19: memref<256x96xf32, #tpu.memory_space<vmem>>) attributes {dimension_semantics = [#tpu.dimension_semantics<arbitrary>], iteration_bounds = array<i64: 4>, scalar_prefetch = 0 : i64, scratch_operands = 2 : i64, tpu.core_type = #tpu.core_type<tc>, window_params = [{transform_indices = @transform_0, window_bounds = array<i64: 2048, 128>}, {pipeline_mode = #tpu.pipeline_mode<synchronous>, transform_indices = @transform_1, window_bounds = array<i64: 256, 48>}, {pipeline_mode = #tpu.pipeline_mode<synchronous>, transform_indices = @transform_2, window_bounds = array<i64: 1, 24>}, {pipeline_mode = #tpu.pipeline_mode<synchronous>, transform_indices = @transform_3, window_bounds = array<i64: 1, 24>}, {pipeline_mode = #tpu.pipeline_mode<synchronous>, transform_indices = @transform_4, window_bounds = array<i64: 24, 24>}, {pipeline_mode = #tpu.pipeline_mode<synchronous>, transform_indices = @transform_5, window_bounds = array<i64: 1, 24>}, {pipeline_mode = #tpu.pipeline_mode<synchronous>, transform_indices = @transform_6, window_bounds = array<i64: 1, 24>}, {pipeline_mode = #tpu.pipeline_mode<synchronous>, transform_indices = @transform_7, window_bounds = array<i64: 1, 24>}, {pipeline_mode = #tpu.pipeline_mode<synchronous>, transform_indices = @transform_8, window_bounds = array<i64: 24, 24>}, {pipeline_mode = #tpu.pipeline_mode<synchronous>, transform_indices = @transform_9, window_bounds = array<i64: 1, 24>}, {pipeline_mode = #tpu.pipeline_mode<synchronous>, transform_indices = @transform_10, window_bounds = array<i64: 96, 48>}, {pipeline_mode = #tpu.pipeline_mode<synchronous>, transform_indices = @transform_11, window_bounds = array<i64: 96, 24>}, {pipeline_mode = #tpu.pipeline_mode<synchronous>, transform_indices = @transform_12, window_bounds = array<i64: 96, 24>}, {pipeline_mode = #tpu.pipeline_mode<synchronous>, transform_indices = @transform_13, window_bounds = array<i64: 1, 96>}, {pipeline_mode = #tpu.pipeline_mode<synchronous>, transform_indices = @transform_14, window_bounds = array<i64: 1, 96>}, {pipeline_mode = #tpu.pipeline_mode<synchronous>, transform_indices = @transform_15, window_bounds = array<i64: 1, 96>}, {transform_indices = @transform_16, window_bounds = array<i64: 8, 256, 96>}]} {
    %eq3A = arith.constant 0 : i32
    %eq3A_0 = arith.cmpi eq, %arg0, %eq3A : i32
    %convert_element_type3A = arith.extui %eq3A_0 : i1 to i32
    %cond3A = arith.constant 0 : i32
    %cond3A_1 = arith.cmpi ne, %convert_element_type3A, %cond3A : i32
    scf.if %cond3A_1 {
      %get3A_92 = arith.constant 0 : index
      %get3A_93 = arith.constant 0 : index
      %get3A_94 = vector.load %arg5[%get3A_92, %get3A_93] : memref<24x24xf32, #tpu.memory_space<vmem>>, vector<24x24xf32>
      %get3A_95 = arith.constant 0 : index
      %get3A_96 = arith.constant 0 : index
      %get3A_97 = vector.load %arg12[%get3A_95, %get3A_96] : memref<96x24xf32, #tpu.memory_space<vmem>>, vector<96x24xf32>
      %dot_general3A_98 = arith.constant dense<0.000000e+00> : vector<24x96xf32>
      %dot_general3A_99 = tpu.matmul %get3A_94, %get3A_97, %dot_general3A_98 {dimension_numbers = #tpu.dot_dimension_numbers<[0], [1], [1], [0], [0, 1, 1, 0], [], []>, transpose_lhs_hint = false} : vector<24x24xf32>, vector<96x24xf32>, vector<24x96xf32> -> vector<24x96xf32>
      %get3A_100 = arith.constant 0 : index
      %get3A_101 = arith.constant 0 : index
      %get3A_102 = vector.load %arg9[%get3A_100, %get3A_101] : memref<24x24xf32, #tpu.memory_space<vmem>>, vector<24x24xf32>
      %get3A_103 = arith.constant 0 : index
      %get3A_104 = arith.constant 0 : index
      %get3A_105 = vector.load %arg13[%get3A_103, %get3A_104] : memref<96x24xf32, #tpu.memory_space<vmem>>, vector<96x24xf32>
      %dot_general3A_106 = arith.constant dense<0.000000e+00> : vector<24x96xf32>
      %dot_general3A_107 = tpu.matmul %get3A_102, %get3A_105, %dot_general3A_106 {dimension_numbers = #tpu.dot_dimension_numbers<[0], [1], [1], [0], [0, 1, 1, 0], [], []>, transpose_lhs_hint = false} : vector<24x24xf32>, vector<96x24xf32>, vector<24x96xf32> -> vector<24x96xf32>
      %concatenate3A_108 = tpu.concatenate %dot_general3A_99, %dot_general3A_107 in 0 : vector<24x96xf32>, vector<24x96xf32> -> vector<48x96xf32>
      %swap3A_109 = arith.constant 0 : index
      %swap3A_110 = arith.constant 0 : index
      %swap3A_111 = vector.load %arg18[%swap3A_109, %swap3A_110] : memref<48x96xf32, #tpu.memory_space<vmem>>, vector<48x96xf32>
      tpu.vector_store %arg18[%swap3A_109, %swap3A_110], %concatenate3A_108 {strides = array<i32>} : memref<48x96xf32, #tpu.memory_space<vmem>>, vector<48x96xf32>,
      %get3A_112 = arith.constant 0 : index
      %get3A_113 = arith.constant 0 : index
      %get3A_114 = vector.load %arg6[%get3A_112, %get3A_113] : memref<1x24xf32, #tpu.memory_space<vmem>>, vector<1x24xf32>
      %get3A_115 = arith.constant 0 : index
      %get3A_116 = arith.constant 0 : index
      %get3A_117 = vector.load %arg12[%get3A_115, %get3A_116] : memref<96x24xf32, #tpu.memory_space<vmem>>, vector<96x24xf32>
      %dot_general3A_118 = arith.constant dense<0.000000e+00> : vector<1x96xf32>
      %dot_general3A_119 = tpu.matmul %get3A_114, %get3A_117, %dot_general3A_118 {dimension_numbers = #tpu.dot_dimension_numbers<[1], [1], [0], [0], [0, 0, 1, 0], [], []>, transpose_lhs_hint = false} : vector<1x24xf32>, vector<96x24xf32>, vector<1x96xf32> -> vector<1x96xf32>
      %get3A_120 = arith.constant 0 : index
      %get3A_121 = arith.constant 0 : index
      %get3A_122 = vector.load %arg10[%get3A_120, %get3A_121] : memref<1x24xf32, #tpu.memory_space<vmem>>, vector<1x24xf32>
      %get3A_123 = arith.constant 0 : index
      %get3A_124 = arith.constant 0 : index
      %get3A_125 = vector.load %arg13[%get3A_123, %get3A_124] : memref<96x24xf32, #tpu.memory_space<vmem>>, vector<96x24xf32>
      %dot_general3A_126 = arith.constant dense<0.000000e+00> : vector<1x96xf32>
      %dot_general3A_127 = tpu.matmul %get3A_122, %get3A_125, %dot_general3A_126 {dimension_numbers = #tpu.dot_dimension_numbers<[1], [1], [0], [0], [0, 0, 1, 0], [], []>, transpose_lhs_hint = false} : vector<1x24xf32>, vector<96x24xf32>, vector<1x96xf32> -> vector<1x96xf32>
      %get3A_128 = arith.constant 0 : index
      %get3A_129 = arith.constant 0 : index
      %get3A_130 = vector.load %arg2[%get3A_128, %get3A_129] : memref<256x48xf32, #tpu.memory_space<vmem>>, vector<256x48xf32>
      %get3A_131 = arith.constant 0 : index
      %get3A_132 = arith.constant 0 : index
      %get3A_133 = vector.load %arg11[%get3A_131, %get3A_132] : memref<96x48xf32, #tpu.memory_space<vmem>>, vector<96x48xf32>
      %dot_general3A_134 = arith.constant dense<0.000000e+00> : vector<256x96xf32>
      %dot_general3A_135 = tpu.matmul %get3A_130, %get3A_133, %dot_general3A_134 {dimension_numbers = #tpu.dot_dimension_numbers<[1], [1], [0], [0], [0, 0, 1, 0], [], []>, transpose_lhs_hint = false} : vector<256x48xf32>, vector<96x48xf32>, vector<256x96xf32> -> vector<256x96xf32>
      %get3A_136 = arith.constant 0 : index
      %get3A_137 = arith.constant 0 : index
      %get3A_138 = vector.load %arg14[%get3A_136, %get3A_137] : memref<1x96xf32, #tpu.memory_space<vmem>>, vector<1x96xf32>
      %add3A_139 = vector.broadcast %get3A_138 : vector<1x96xf32> to vector<256x96xf32>
      %add3A_140 = arith.addf %dot_general3A_135, %add3A_139 : vector<256x96xf32>
      %add3A_141 = vector.broadcast %dot_general3A_119 : vector<1x96xf32> to vector<256x96xf32>
      %add3A_142 = arith.addf %add3A_140, %add3A_141 : vector<256x96xf32>
      %add3A_143 = vector.broadcast %dot_general3A_127 : vector<1x96xf32> to vector<256x96xf32>
      %add3A_144 = arith.addf %add3A_142, %add3A_143 : vector<256x96xf32>
      %swap3A_145 = arith.constant 0 : index
      %swap3A_146 = arith.constant 0 : index
      %swap3A_147 = vector.load %arg19[%swap3A_145, %swap3A_146] : memref<256x96xf32, #tpu.memory_space<vmem>>, vector<256x96xf32>
      tpu.vector_store %arg19[%swap3A_145, %swap3A_146], %add3A_144 {strides = array<i32>} : memref<256x96xf32, #tpu.memory_space<vmem>>, vector<256x96xf32>,
    } else {
    }
    %get3A = arith.constant 0 : index
    %get3A_2 = arith.constant 0 : index
    %get3A_3 = vector.load %arg1[%get3A, %get3A_2] : memref<2048x128xf32, #tpu.memory_space<vmem>>, vector<2048x128xf32>
    %slice3A = vector.extract_strided_slice %get3A_3 {offsets = [0, 32], sizes = [2048, 16], strides = [1, 1]} : vector<2048x128xf32> to vector<2048x16xf32>
    %reduce_sum3A = arith.constant dense<0.000000e+00> : vector<2048xf32>
    %reduce_sum3A_4 = vector.multi_reduction <add>, %slice3A, %reduce_sum3A [1] : vector<2048x16xf32> to vector<2048xf32>
    %broadcast_in_dim3A = vector.shape_cast %reduce_sum3A_4 : vector<2048xf32> to vector<2048x1xf32>
    %gt3A = arith.constant 0.000000e+00 : f32
    %gt3A_5 = vector.broadcast %gt3A : f32 to vector<2048x1xf32>
    %gt3A_6 = arith.cmpf ogt, %broadcast_in_dim3A, %gt3A_5 : vector<2048x1xf32>
    %jit3A = arith.constant 1.000000e+00 : f32
    %broadcast_in_dim3A_7 = vector.broadcast %jit3A : f32 to vector<2048x1xf32>
    %select_n3A = arith.select %gt3A_6, %broadcast_in_dim3A, %broadcast_in_dim3A_7 : vector<2048x1xi1>, vector<2048x1xf32>
    %slice3A_8 = vector.extract_strided_slice %get3A_3 {offsets = [0, 0], sizes = [2048, 16], strides = [1, 1]} : vector<2048x128xf32> to vector<2048x16xf32>
    %reduce_sum3A_9 = arith.constant dense<0.000000e+00> : vector<2048xf32>
    %reduce_sum3A_10 = vector.multi_reduction <add>, %slice3A_8, %reduce_sum3A_9 [1] : vector<2048x16xf32> to vector<2048xf32>
    %broadcast_in_dim3A_11 = vector.shape_cast %reduce_sum3A_10 : vector<2048xf32> to vector<2048x1xf32>
    %div3A = arith.divf %broadcast_in_dim3A_11, %select_n3A : vector<2048x1xf32>
    %jit3A_12 = arith.constant 0.000000e+00 : f32
    %broadcast_in_dim3A_13 = vector.broadcast %jit3A_12 : f32 to vector<2048x1xf32>
    %select_n3A_14 = arith.select %gt3A_6, %div3A, %broadcast_in_dim3A_13 : vector<2048x1xi1>, vector<2048x1xf32>
    %slice3A_15 = vector.extract_strided_slice %get3A_3 {offsets = [0, 16], sizes = [2048, 16], strides = [1, 1]} : vector<2048x128xf32> to vector<2048x16xf32>
    %reduce_sum3A_16 = arith.constant dense<0.000000e+00> : vector<2048xf32>
    %reduce_sum3A_17 = vector.multi_reduction <add>, %slice3A_15, %reduce_sum3A_16 [1] : vector<2048x16xf32> to vector<2048xf32>
    %broadcast_in_dim3A_18 = vector.shape_cast %reduce_sum3A_17 : vector<2048xf32> to vector<2048x1xf32>
    %div3A_19 = arith.divf %broadcast_in_dim3A_18, %select_n3A : vector<2048x1xf32>
    %jit3A_20 = arith.constant 0.000000e+00 : f32
    %broadcast_in_dim3A_21 = vector.broadcast %jit3A_20 : f32 to vector<2048x1xf32>
    %select_n3A_22 = arith.select %gt3A_6, %div3A_19, %broadcast_in_dim3A_21 : vector<2048x1xi1>, vector<2048x1xf32>
    %get3A_23 = arith.constant 0 : index
    %get3A_24 = arith.constant 0 : index
    %get3A_25 = vector.load %arg3[%get3A_23, %get3A_24] : memref<1x24xf32, #tpu.memory_space<vmem>>, vector<1x24xf32>
    %mul3A = vector.broadcast %select_n3A_14 : vector<2048x1xf32> to vector<2048x24xf32>
    %mul3A_26 = vector.broadcast %get3A_25 : vector<1x24xf32> to vector<2048x24xf32>
    %mul3A_27 = arith.mulf %mul3A, %mul3A_26 : vector<2048x24xf32>
    %get3A_28 = arith.constant 0 : index
    %get3A_29 = arith.constant 0 : index
    %get3A_30 = vector.load %arg4[%get3A_28, %get3A_29] : memref<1x24xf32, #tpu.memory_space<vmem>>, vector<1x24xf32>
    %add3A = vector.broadcast %get3A_30 : vector<1x24xf32> to vector<2048x24xf32>
    %add3A_31 = arith.addf %mul3A_27, %add3A : vector<2048x24xf32>
    %max3A = arith.constant 0.000000e+00 : f32
    %max3A_32 = vector.broadcast %max3A : f32 to vector<2048x24xf32>
    %max3A_33 = arith.maximumf %add3A_31, %max3A_32 : vector<2048x24xf32>
    %get3A_34 = arith.constant 0 : index
    %get3A_35 = arith.constant 0 : index
    %get3A_36 = vector.load %arg7[%get3A_34, %get3A_35] : memref<1x24xf32, #tpu.memory_space<vmem>>, vector<1x24xf32>
    %mul3A_37 = vector.broadcast %select_n3A_22 : vector<2048x1xf32> to vector<2048x24xf32>
    %mul3A_38 = vector.broadcast %get3A_36 : vector<1x24xf32> to vector<2048x24xf32>
    %mul3A_39 = arith.mulf %mul3A_37, %mul3A_38 : vector<2048x24xf32>
    %get3A_40 = arith.constant 0 : index
    %get3A_41 = arith.constant 0 : index
    %get3A_42 = vector.load %arg8[%get3A_40, %get3A_41] : memref<1x24xf32, #tpu.memory_space<vmem>>, vector<1x24xf32>
    %add3A_43 = vector.broadcast %get3A_42 : vector<1x24xf32> to vector<2048x24xf32>
    %add3A_44 = arith.addf %mul3A_39, %add3A_43 : vector<2048x24xf32>
    %max3A_45 = arith.constant 0.000000e+00 : f32
    %max3A_46 = vector.broadcast %max3A_45 : f32 to vector<2048x24xf32>
    %max3A_47 = arith.maximumf %add3A_44, %max3A_46 : vector<2048x24xf32>
    %concatenate3A = tpu.concatenate %max3A_33, %max3A_47 in 1 : vector<2048x24xf32>, vector<2048x24xf32> -> vector<2048x48xf32>
    %get3A_48 = arith.constant 0 : index
    %get3A_49 = arith.constant 0 : index
    %get3A_50 = vector.load %arg18[%get3A_48, %get3A_49] : memref<48x96xf32, #tpu.memory_space<vmem>>, vector<48x96xf32>
    %dot_general3A = arith.constant dense<0.000000e+00> : vector<2048x96xf32>
    %dot_general3A_51 = tpu.matmul %concatenate3A, %get3A_50, %dot_general3A {dimension_numbers = #tpu.dot_dimension_numbers<[1], [0], [0], [1], [0, 0, 1, 1], [], []>, transpose_lhs_hint = false} : vector<2048x48xf32>, vector<48x96xf32>, vector<2048x96xf32> -> vector<2048x96xf32>
    %reshape3A = vector.shape_cast %dot_general3A_51 : vector<2048x96xf32> to vector<8x256x96xf32>
    %get3A_52 = arith.constant 0 : index
    %get3A_53 = arith.constant 0 : index
    %get3A_54 = vector.load %arg19[%get3A_52, %get3A_53] : memref<256x96xf32, #tpu.memory_space<vmem>>, vector<256x96xf32>
    %broadcast_in_dim3A_55 = vector.shape_cast %get3A_54 : vector<256x96xf32> to vector<1x256x96xf32>
    %add3A_56 = vector.broadcast %broadcast_in_dim3A_55 : vector<1x256x96xf32> to vector<8x256x96xf32>
    %add3A_57 = arith.addf %reshape3A, %add3A_56 : vector<8x256x96xf32>
    %reduce_sum3A_58 = arith.constant dense<0.000000e+00> : vector<8x256xf32>
    %reduce_sum3A_59 = vector.multi_reduction <add>, %add3A_57, %reduce_sum3A_58 [2] : vector<8x256x96xf32> to vector<8x256xf32>
    %broadcast_in_dim3A_60 = vector.shape_cast %reduce_sum3A_59 : vector<8x256xf32> to vector<8x256x1xf32>
    %div3A_61 = arith.constant 9.600000e+01 : f32
    %div3A_62 = vector.broadcast %div3A_61 : f32 to vector<8x256x1xf32>
    %div3A_63 = arith.divf %broadcast_in_dim3A_60, %div3A_62 : vector<8x256x1xf32>
    %sub3A = vector.broadcast %div3A_63 : vector<8x256x1xf32> to vector<8x256x96xf32>
    %sub3A_64 = arith.subf %add3A_57, %sub3A : vector<8x256x96xf32>
    %mul3A_65 = arith.mulf %sub3A_64, %sub3A_64 : vector<8x256x96xf32>
    %reduce_sum3A_66 = arith.constant dense<0.000000e+00> : vector<8x256xf32>
    %reduce_sum3A_67 = vector.multi_reduction <add>, %mul3A_65, %reduce_sum3A_66 [2] : vector<8x256x96xf32> to vector<8x256xf32>
    %broadcast_in_dim3A_68 = vector.shape_cast %reduce_sum3A_67 : vector<8x256xf32> to vector<8x256x1xf32>
    %div3A_69 = arith.constant 9.600000e+01 : f32
    %div3A_70 = vector.broadcast %div3A_69 : f32 to vector<8x256x1xf32>
    %div3A_71 = arith.divf %broadcast_in_dim3A_68, %div3A_70 : vector<8x256x1xf32>
    %add3A_72 = arith.constant 9.99999974E-6 : f32
    %add3A_73 = vector.broadcast %add3A_72 : f32 to vector<8x256x1xf32>
    %add3A_74 = arith.addf %div3A_71, %add3A_73 : vector<8x256x1xf32>
    %rsqrt3A = math.rsqrt %add3A_74 : vector<8x256x1xf32>
    %mul3A_75 = vector.broadcast %rsqrt3A : vector<8x256x1xf32> to vector<8x256x96xf32>
    %mul3A_76 = arith.mulf %sub3A_64, %mul3A_75 : vector<8x256x96xf32>
    %get3A_77 = arith.constant 0 : index
    %get3A_78 = arith.constant 0 : index
    %get3A_79 = vector.load %arg15[%get3A_77, %get3A_78] : memref<1x96xf32, #tpu.memory_space<vmem>>, vector<1x96xf32>
    %broadcast_in_dim3A_80 = vector.shape_cast %get3A_79 : vector<1x96xf32> to vector<1x1x96xf32>
    %mul3A_81 = vector.broadcast %broadcast_in_dim3A_80 : vector<1x1x96xf32> to vector<8x256x96xf32>
    %mul3A_82 = arith.mulf %mul3A_76, %mul3A_81 : vector<8x256x96xf32>
    %get3A_83 = arith.constant 0 : index
    %get3A_84 = arith.constant 0 : index
    %get3A_85 = vector.load %arg16[%get3A_83, %get3A_84] : memref<1x96xf32, #tpu.memory_space<vmem>>, vector<1x96xf32>
    %broadcast_in_dim3A_86 = vector.shape_cast %get3A_85 : vector<1x96xf32> to vector<1x1x96xf32>
    %add3A_87 = vector.broadcast %broadcast_in_dim3A_86 : vector<1x1x96xf32> to vector<8x256x96xf32>
    %add3A_88 = arith.addf %mul3A_82, %add3A_87 : vector<8x256x96xf32>
    %tanh3A = math.tanh %add3A_88 : vector<8x256x96xf32>
    %swap3A = arith.constant 0 : index
    %swap3A_89 = arith.constant 0 : index
    %swap3A_90 = arith.constant 0 : index
    %swap3A_91 = vector.load %arg17[%swap3A, %swap3A_89, %swap3A_90] : memref<8x256x96xf32, #tpu.memory_space<vmem>>, vector<8x256x96xf32>
    tpu.vector_store %arg17[%swap3A, %swap3A_89, %swap3A_90], %tanh3A {strides = array<i32>} : memref<8x256x96xf32, #tpu.memory_space<vmem>>, vector<8x256x96xf32>,
    return
  }
  func.func @transform_0(%arg0: i32) -> (i32, i32) {
    %c0_i32 = arith.constant 0 : i32
    %c0_i32_0 = arith.constant 0 : i32
    return %arg0, %c0_i32 : i32, i32
  }
  func.func @transform_1(%arg0: i32) -> (i32, i32) {
    %c0_i32 = arith.constant 0 : i32
    %c0_i32_0 = arith.constant 0 : i32
    %c0_i32_1 = arith.constant 0 : i32
    return %c0_i32, %c0_i32_0 : i32, i32
  }
  func.func @transform_2(%arg0: i32) -> (i32, i32) {
    %c0_i32 = arith.constant 0 : i32
    %c0_i32_0 = arith.constant 0 : i32
    %c0_i32_1 = arith.constant 0 : i32
    return %c0_i32, %c0_i32_0 : i32, i32
  }
  func.func @transform_3(%arg0: i32) -> (i32, i32) {
    %c0_i32 = arith.constant 0 : i32
    %c0_i32_0 = arith.constant 0 : i32
    %c0_i32_1 = arith.constant 0 : i32
    return %c0_i32, %c0_i32_0 : i32, i32
  }
  func.func @transform_4(%arg0: i32) -> (i32, i32) {
    %c0_i32 = arith.constant 0 : i32
    %c0_i32_0 = arith.constant 0 : i32
    %c0_i32_1 = arith.constant 0 : i32
    return %c0_i32, %c0_i32_0 : i32, i32
  }
  func.func @transform_5(%arg0: i32) -> (i32, i32) {
    %c0_i32 = arith.constant 0 : i32
    %c0_i32_0 = arith.constant 0 : i32
    %c0_i32_1 = arith.constant 0 : i32
    return %c0_i32, %c0_i32_0 : i32, i32
  }
  func.func @transform_6(%arg0: i32) -> (i32, i32) {
    %c0_i32 = arith.constant 0 : i32
    %c0_i32_0 = arith.constant 0 : i32
    %c0_i32_1 = arith.constant 0 : i32
    return %c0_i32, %c0_i32_0 : i32, i32
  }
  func.func @transform_7(%arg0: i32) -> (i32, i32) {
    %c0_i32 = arith.constant 0 : i32
    %c0_i32_0 = arith.constant 0 : i32
    %c0_i32_1 = arith.constant 0 : i32
    return %c0_i32, %c0_i32_0 : i32, i32
  }
  func.func @transform_8(%arg0: i32) -> (i32, i32) {
    %c0_i32 = arith.constant 0 : i32
    %c0_i32_0 = arith.constant 0 : i32
    %c0_i32_1 = arith.constant 0 : i32
    return %c0_i32, %c0_i32_0 : i32, i32
  }
  func.func @transform_9(%arg0: i32) -> (i32, i32) {
    %c0_i32 = arith.constant 0 : i32
    %c0_i32_0 = arith.constant 0 : i32
    %c0_i32_1 = arith.constant 0 : i32
    return %c0_i32, %c0_i32_0 : i32, i32
  }
  func.func @transform_10(%arg0: i32) -> (i32, i32) {
    %c0_i32 = arith.constant 0 : i32
    %c0_i32_0 = arith.constant 0 : i32
    %c0_i32_1 = arith.constant 0 : i32
    return %c0_i32, %c0_i32_0 : i32, i32
  }
  func.func @transform_11(%arg0: i32) -> (i32, i32) {
    %c0_i32 = arith.constant 0 : i32
    %c0_i32_0 = arith.constant 0 : i32
    %c0_i32_1 = arith.constant 0 : i32
    return %c0_i32, %c0_i32_0 : i32, i32
  }
  func.func @transform_12(%arg0: i32) -> (i32, i32) {
    %c0_i32 = arith.constant 0 : i32
    %c0_i32_0 = arith.constant 0 : i32
    %c0_i32_1 = arith.constant 0 : i32
    return %c0_i32, %c0_i32_0 : i32, i32
  }
  func.func @transform_13(%arg0: i32) -> (i32, i32) {
    %c0_i32 = arith.constant 0 : i32
    %c0_i32_0 = arith.constant 0 : i32
    %c0_i32_1 = arith.constant 0 : i32
    return %c0_i32, %c0_i32_0 : i32, i32
  }
  func.func @transform_14(%arg0: i32) -> (i32, i32) {
    %c0_i32 = arith.constant 0 : i32
    %c0_i32_0 = arith.constant 0 : i32
    %c0_i32_1 = arith.constant 0 : i32
    return %c0_i32, %c0_i32_0 : i32, i32
  }
  func.func @transform_15(%arg0: i32) -> (i32, i32) {
    %c0_i32 = arith.constant 0 : i32
    %c0_i32_0 = arith.constant 0 : i32
    %c0_i32_1 = arith.constant 0 : i32
    return %c0_i32, %c0_i32_0 : i32, i32
  }
  func.func @transform_16(%arg0: i32) -> (i32, i32, i32) {
    %c0_i32 = arith.constant 0 : i32
    %c0_i32_0 = arith.constant 0 : i32
    %c0_i32_1 = arith.constant 0 : i32
    return %arg0, %c0_i32, %c0_i32_0 : i32, i32, i32
  }
}

</mosaic_0001>

<sc_bundles>
// kernel: kernel.4.cloned.1.call-start
scs
__scs_entry_jumppad:
0x0: {  	(pc) =	sbr.rel $0x88, $3  }
0x1: {  	(tag) =	ssettag $0x0;
	lr =	simm.s32 $0x1  }
0x2: {  	[smem:$0x3F92] =	sst lr;
	_ =	strace $0xD0000000  }
0x3: {  	_ = 	snop  }
0x4: {  	_ = 	snop  }
0x5: {  	_ = 	snop  }
0x6: {  	_ = 	snop  }
0x7: {  	_ = 	snop  }
__scs_overlays_trampoline_lowered:
0x8: {  	[smem:$0x3FA1] =	sst s0  }
0x9: {  	[smem:$0x3FA2] =	sst s1  }
0xa: {  	[smem:$0x3FA3] =	sst s2  }
0xb: {  	[smem:$0x3FA4] =	sst s3  }
0xc: {  	[smem:$0x3FA5] =	sst s4  }
0xd: {  	[smem:$0x3FA6] =	sst s5  }
0xe: {  	[smem:$0x3FA7] =	sst s6  }
0xf: {  	[smem:$0x3FA8] =	sst s7  }
0x10: {  	[smem:$0x3FA9] =	sst s8  }
0x11: {  	[smem:$0x3FAA] =	sst s9;
	s0 =	simm.s32 @!p0 $0x0  }
0x12: {  	s1 =	sld [smem:$0x3F90];
	s0 =	simm.s32 @p0 $0x1  }
0x13: {  	[smem:$0x3FAB] =	sst s0;
	s0 =	simm.s32 @!p1 $0x0  }
0x14: {  	s2 =	sld [smem:$0x3F8F];
	s0 =	simm.s32 @p1 $0x1  }
0x15: {  	[smem:$0x3FAC] =	sst s0;
	s0 =	simm.s32 @!p2 $0x0  }
0x16: {  	s3 =	sld [smem:$0x3FDB];
	s0 =	simm.s32 @p2 $0x1  }
0x17: {  	s4 =	simm.s32 $0x1BF5;
	[smem:$0x3FAE] =	sst s0  }
0x18: {  	s0 =	sld [smem:$0x3F91];
	_ =	swait.ge [sflag:s4], $0x0  }
0x19: {  	s7 =	sld [smem:$0x3F92]  }
0x1a: {  	s8 =	sadd.s32 $0xFFFFE003, lr  }
0x1b: {  	s9 =	sadd.s32 $0xFFFFFEF7, lr;
	s5 =	simm.s32 $0xFFFFFFFF;
	p2 =	slt.u32 s8, $0xFFFFF086  }
0x1c: {  	p1 =	slt.u32 s9, $0xF7A;
	s5 =	simm.s32 @!p2 $0x0  }
0x1d: {  	s5 =	simm.s32 @p1 $0x1;
	p0 =	seq.s32 s7, s2  }
0x1e: {  	s7 =	smul.u32 @!p0 $0xF7A, s2;
	p2 =	seq.s32 @!p0 s5, $0x0  }
0x1f: {  	s9 =	smul.u32 $0xF7A, s1;
	s8 =	simm.s32 @!p0 $0x1BF5;
	p2 =	por !p2, p0  }
0x20: {  	[sflag:s8] =	ssyncset.s32 @!p0 $0xFFFFF086;
	s6 =	sadd.s32 @!p0 s3, s7;
	s7 =	simm.s32 @!p0 $0x108  }
0x21: {  	s3 =	sadd.s32 s3, s9;
	s6 =	sadd.s32 @!p0 $0x88, s6;
	s7 =	simm.s32 @p2 $0x1082  }
0x22: {  	[simem:s7], [sflag:s8] =	dma.local @!p0 [hbm:s6], $0xF7A  }
0x23: {  	s9 =	sor.u32 $0xD0000000, s2;
	s6 =	simm.s32 $0x108;
	_ =	swait.ge @!p0 [sflag:s8], $0x0  }
0x24: {  	s3 =	sadd.s32 $0x88, s3;
	s6 =	simm.s32 @!p1 $0x1082;
	[sflag:s4] =	ssyncset.s32 $0xFFFFF086  }
0x25: {  	[simem:s6], [sflag:s4] =	dma.local [hbm:s3], $0xF7A  }
0x26: {  	[smem:$0x3F92] =	sst s1;
	(tag) =	ssettag s2;
	_ =	strace s9  }
0x27: {  	s1 =	sld [smem:$0x3FA2]  }
0x28: {  	s2 =	sld [smem:$0x3FA3]  }
0x29: {  	s4 =	sld [smem:$0x3FA5]  }
0x2a: {  	p0 =	seq.s32 s5, $0x0;
	s5 =	sld [smem:$0x3FA6]  }
0x2b: {  	s6 =	sld [smem:$0x3FA7]  }
0x2c: {  	s7 =	sld [smem:$0x3FA8]  }
0x2d: {  	s3 =	simm.s32 $0x108;
	s8 =	sld [smem:$0x3FA9]  }
0x2e: {  	s3 =	simm.s32 @!p0 $0x1082;
	s9 =	sld [smem:$0x3FAA]  }
0x2f: {  	lr =	sadd.s32 s0, s3;
	s0 =	sld [smem:$0x3FA1]  }
0x30: {  	s3 =	sld [smem:$0x3FA4]  }
0x31: {  	[smem:$0x3FAD] =	sst s10  }
0x32: {  	s10 =	sld [smem:$0x3FAB];
	_ =	sdelay $0x3  }
0x33: {  	p0 =	seq.s32 s10, $0x1;
	s10 =	sld [smem:$0x3FAD];
	_ =	sdelay $0x3  }
0x34: {  	[smem:$0x3FAD] =	sst s10  }
0x35: {  	s10 =	sld [smem:$0x3FAC];
	_ =	sdelay $0x3  }
0x36: {  	p1 =	seq.s32 s10, $0x1;
	s10 =	sld [smem:$0x3FAD];
	_ =	sdelay $0x3  }
0x37: {  	[smem:$0x3FAD] =	sst s10  }
0x38: {  	s10 =	sld [smem:$0x3FAE]  }
0x39: {  	_ = 	snop;
	(pc) =	sbr.ind lr, $3  }
0x3a: {  	_ = 	snop  }
0x3b: {  	_ = 	snop  }
0x3c: {  	p2 =	seq.s32 s10, $0x1;
	s10 =	sld [smem:$0x3FAD]  }
0x3d: {  	_ =	shalt  }
0x3e: {  	_ =	shalt  }
0x3f: {  	_ =	shalt  }
0x40: {  	_ =	shalt  }
0x41: {  	_ =	shalt  }
0x42: {  	_ =	shalt  }
0x43: {  	_ =	shalt  }
0x44: {  	_ =	shalt  }
0x45: {  	_ =	shalt  }
0x46: {  	_ =	shalt  }
0x47: {  	_ =	shalt  }
0x48: {  	_ =	shalt  }
0x49: {  	_ =	shalt  }
0x4a: {  	_ =	shalt  }
0x4b: {  	_ =	shalt  }
0x4c: {  	_ =	shalt  }
0x4d: {  	_ =	shalt  }
0x4e: {  	_ =	shalt  }
0x4f: {  	_ =	shalt  }
0x50: {  	_ =	shalt  }
0x51: {  	_ =	shalt  }
0x52: {  	_ =	shalt  }
0x53: {  	_ =	shalt  }
0x54: {  	_ =	shalt  }
0x55: {  	_ =	shalt  }
0x56: {  	_ =	shalt  }
0x57: {  	_ =	shalt  }
0x58: {  	_ =	shalt  }
0x59: {  	_ =	shalt  }
0x5a: {  	_ =	shalt  }
0x5b: {  	_ =	shalt  }
0x5c: {  	_ =	shalt  }
0x5d: {  	_ =	shalt  }
0x5e: {  	_ =	shalt  }
0x5f: {  	_ =	shalt  }
0x60: {  	_ =	shalt  }
0x61: {  	_ =	shalt  }
0x62: {  	_ =	shalt  }
0x63: {  	_ =	shalt  }
0x64: {  	_ =	shalt  }
0x65: {  	_ =	shalt  }
0x66: {  	_ =	shalt  }
0x67: {  	_ =	shalt  }
0x68: {  	_ =	shalt  }
0x69: {  	_ =	shalt  }
0x6a: {  	_ =	shalt  }
0x6b: {  	_ =	shalt  }
0x6c: {  	_ =	shalt  }
0x6d: {  	_ =	shalt  }
0x6e: {  	_ =	shalt  }
0x6f: {  	_ =	shalt  }
0x70: {  	_ =	shalt  }
0x71: {  	_ =	shalt  }
0x72: {  	_ =	shalt  }
0x73: {  	_ =	shalt  }
0x74: {  	_ =	shalt  }
0x75: {  	_ =	shalt  }
0x76: {  	_ =	shalt  }
0x77: {  	_ =	shalt  }
0x78: {  	_ =	shalt  }
0x79: {  	_ =	shalt  }
0x7a: {  	_ =	shalt  }
0x7b: {  	_ =	shalt  }
0x7c: {  	_ =	shalt  }
0x7d: {  	_ =	shalt  }
0x7e: {  	_ =	shalt  }
0x7f: {  	_ =	shalt  }
0x80: {  	_ =	shalt  }
0x81: {  	_ =	shalt  }
0x82: {  	_ =	shalt  }
0x83: {  	_ =	shalt  }
0x84: {  	_ =	shalt  }
0x85: {  	_ =	shalt  }
0x86: {  	_ =	shalt  }
0x87: {  	_ =	shalt  }
.Lfunc_end0:
.L_simem_size_0:
called_computation_lowered:
.L_overlay_start_0:
0x88: {  	s2 =	sld [smem:$0x3FD9]  }
0x89: {  	s3 =	sld [smem:$0x3FFE];
	_ =	sdelay $0x1  }
0x8a: {  	s1 =	srdreg.scid  }
0x8b: {  	s0 =	sand.u32 $0x1, s1  }
0x8c: {  	s17 =	sshll.u32 s0, $0xA;
	s2 =	sadd.s32 s3, s2  }
0x8d: {  	s2 =	sadd.s32 s2, s17  }
0x8e: {  	[smem:$0x3FB9] =	sst s2  }
0x8f: {  	_ = 	snop  }
0x90: {  	s2 =	sld [smem:$0x3FD0];
	(tm) =	ssettm $0x1  }
0x91: {  	s18 =	sld [smem:$0x3FFB];
	_ =	sdelay $0x3  }
0x92: {  	_ =	strace s18  }
0x93: {  	s3 =	sld [smem:$0x3FFC];
	_ =	sdelay $0x3  }
0x94: {  	_ =	strace s3  }
0x95: {  	s3 =	sld [smem:$0x3FFD];
	_ =	sdelay $0x3  }
0x96: {  	_ =	strace s3  }
0x97: {  	_ =	strace $0x8FFFFFFF  }
0x98: {  	s19 =	sld [smem:$0x3FDB];
	_ =	sdelay $0x1  }
0x99: {  	s4 =	simm.s32 $_scs_section_size  }
0x9a: {  	s5 =	simm.s32 $_size__tile_overlayer_lowered;
	s6 =	simm.s32 $_tile_overlayer_lowered  }
0x9b: {  	s22 =	simm.s32 $0x1BFF;
	s21 =	sshll.u32 s6, $0x1;
	s3 =	sadd.s32 s4, s19  }
0x9c: {  	s7 =	simm.s32 $0x0;
	s20 =	sshll.u32 s5, $0x1;
	s5 =	sadd.s32 s21, s3  }
0x9d: {  	[timem:s7], [sflag:s22] =	dma.local [hbm:s5], s20  }
0x9e: {  	_ =	swait.ge [sflag:s22], s20  }
0x9f: {  	s4 =	ssub.s32 $0x0, s20;
	[sflag:s22] =	ssyncset.done $0x0  }
0xa0: {  	[sflag:s22] =	ssyncadd.s32 s4;
	_ =	sdelay $0x1  }
0xa1: {  	s23 =	simm.s32 $0x1B8B  }
0xa2: {  	_ =	swait.ge [sflag:s23], $0x1  }
0xa3: {  	[sflag:s23] =	ssyncset.done $0x0  }
0xa4: {  	s25 =	simm.s32 $0x1B8E;
	s24 =	sld [smem:$0x3FFE];
	[sflag:s23] =	ssyncadd.s32 $0xFFFFFFFF  }
0xa5: {  	s26 =	simm.s32 $execute0_lowered;
	[smem:$0x3FD2] =	sst s25  }
0xa6: {  	s5 =	sshll.u32 s26, $0x1;
	_ =	strace $0x80000046;
	[dreg:$0x1] =	wrdreg $0xFFFFFFFF  }
0xa7: {  	s28 =	simm.s32 $_size_execute0_lowered;
	s3 =	sadd.s32 s3, s5;
	[dreg:$0x0] =	wrdreg $0x0  }
0xa8: {  	s5 =	sshll.u32 s28, $0x1;
	[dreg:$0x2] =	wrdreg s3  }
0xa9: {  	[dreg:$0x3] =	wrdreg s5  }
0xaa: {  	[dreg:$0x4] =	wrdreg $0xC0  }
0xab: {  	_ =	task [dreg:s7], $0x5FFFF  }
0xac: {  	[dreg:$0x1] =	wrdreg $0xFFFFFFFF  }
0xad: {  	[dreg:$0x0] =	wrdreg $0x60  }
0xae: {  	[dreg:$0x2] =	wrdreg s24  }
0xaf: {  	[dreg:$0x3] =	wrdreg s2  }
0xb0: {  	[dreg:$0x4] =	wrdreg $0x9  }
0xb1: {  	_ =	task.clear_ibuf [dreg:s7], $0x5FFFF;
	_ =	strace $0x90000046  }
0xb2: {  	s29 =	simm.s32 $0x9;
	_ =	strace $0x80000048  }
0xb3: {  	_ =	swait.ge [sflag:s29], $0x1  }
0xb4: {  	[sflag:s29] =	ssyncadd.s32 $0xFFFFFFFF  }
0xb5: {  	_ =	strace $0x90000048  }
0xb6: {  	_ =	sfence  }
0xb7: {  	s30 =	sld [smem:$0x0];
	_ =	sdelay $0x2  }
0xb8: {  	s31 =	sshll.u32 s1, $0xD;
	s1 =	sshrl.u32 s1, $0x2  }
0xb9: {  	s3 =	sand.u32 $0x4000, s31;
	s1 =	sadd.s32 s1, s30  }
0xba: {  	s0 =	sor.u32 s3, s0;
	s1 =	sshll.u32 s1, $0x11  }
0xbb: {  	s0 =	sor.u32 s1, s0  }
0xbc: {  	s0 =	sadd.s32 $0x8F2B, s0  }
0xbd: {  	[sflag:s0] =	ssyncadd.remote.s32 $0x1  }
0xbe: {  	_ =	sfence.sel $0xFFFF  }
0xbf: {  	[dreg:$0x0] =	wrdreg $0xFFFFFFFF;
	(pc) =	sbr.abs _section_cstart, $3  }
0xc0: {  	[dreg:$0x1] =	wrdreg $0xFFFFFFFF  }
0xc1: {  	_ =	task.clear_ibuf [dreg:s7], $0x2FFFF;
	_ =	strace $0x9FFFFFFF  }
0xc2: {  	(tm) =	ssettm $0x7FFFFFFF  }
0xc3: {  	_ =	shalt  }
tec
execute0_lowered:
.L_overlay_start_1:
0x0: {  	(tag) =	ssettag $0x1  }
0x1: {  	s3 =	rddreg [dreg:$0x0]  }
0x2: {  	s6 =	rddreg [dreg:$0x1];
	s1 =	simm.s32 $0x0  }
0x3: {  	[smem:$0x7FF] =	sst s1  }
0x4: {  	s0 =	rddreg [dreg:$0x2];
	v0 =	vimm.f32 $1.400000000e+01;
	_ =	strace $0x80000047  }
0x5: {  	s4 =	srdreg.scid;
	(erf) = vrcp.f32 v0  }
0x6: {  	s2 =	stileid.u32;
	s11 =	simm.s32 $0x4000;
	s12 =	simm.s32 $0x6000  }
0x7: {  	s13 =	simm.s32 $0x8000;
	s14 =	simm.s32 $0x1;
	s15 =	simm.s32 $0xA000  }
0x8: {  	s16 =	simm.s32 $0x2;
	s4 =	sand.u32 $0x1, s4;
	s5 =	sshll.u32 s2, $0x1  }
0x9: {  	s17 =	simm.s32 $0x0;
	s5 =	sor.u32 s4, s5;
	s4 =	ssub.s32 $0x2, s4  }
0xa: {  	s7 =	sadd.s32 $0x2400, s3;
	s8 =	sshll.u32 s5, $0xC;
	s9 =	sshrl.u32 s4, $0x1  }
0xb: {  	s5 =	sshll.u32 s5, $0xA;
	s8 =	sadd.s32 s8, s3;
	s9 =	ssub.s32 s4, s9  }
0xc: {  	v3 =	vimm.f32 $1.000000000e+00;
	s10 =	sor.u32 $0x8000, s5;
	s3 =	sadd.s32 s7, s5;
	s5 =	sadd.s32 s6, s5  }
0xd: {  	v1 =	vlaneseq.u32;
	v3 =	vand.u32 $0x7FFFFFFF, v3;
	s4 =	sadd.s32 s7, s10;
	s6 =	sadd.s32 s6, s10;
	s7 =	sadd.s32 $0x10000, s5  }
0xe: {  	v4 =	vor.u32 $0x10, v1;
	v5 =	vor.u32 $0x20, v1;
	v0 =	vimm.f32 $0.0e+00;
	s8 =	sadd.s32 $0x12400, s8;
	s9 =	smax.u32 s9, $0x1;
	s10 =	simm.s32 $0x2000;
	v2 =	vpop (erf)  }
.LBB2_1:
0xf: {  	[tilespmem:s1], [sflag:$0x1] =	stream.linear.gather [hbm4b:s3+s1], $0x2000, $0x38;
	[tilespmem:$0x12000] =	vst v63  }
0x10: {  	_ = 	snop  }
0x11: {  	[tilespmem:s10], [sflag:$0x1] =	stream.linear.gather [hbm4b:s4+s1], $0x2000, $0x38;
	[tilespmem:$0x12000] =	vst v63  }
0x12: {  	_ = 	snop  }
0x13: {  	[tilespmem:s11], [sflag:$0x1] =	stream.linear.gather [hbm4b:s5+s1], $0x2000, $0x38;
	[tilespmem:$0x12000] =	vst v63  }
0x14: {  	_ = 	snop  }
0x15: {  	[tilespmem:s12], [sflag:$0x1] =	stream.linear.gather [hbm4b:s6+s1], $0x2000, $0x38;
	[tilespmem:$0x12000] =	vst v63  }
0x16: {  	s18 =	simm.s32 $0xA200  }
0x17: {  	[tilespmem:s13], [sflag:$0x1] =	stream.linear.gather [hbm4b:s7+s1], $0x2000, $0x38;
	[tilespmem:$0x12000] =	vst v63  }
0x18: {  	[tilespmem:s18+$0xFFFFFE00] =	vst v0  }
0x19: {  	[tilespmem:s18+$0x1A0] =	vst v0  }
0x1a: {  	[tilespmem:s18+$0x190] =	vst v0  }
0x1b: {  	[tilespmem:s18+$0x180] =	vst v0  }
0x1c: {  	[tilespmem:s18+$0x120] =	vst v0  }
0x1d: {  	[tilespmem:s18+$0x110] =	vst v0  }
0x1e: {  	[tilespmem:s18+$0x100] =	vst v0  }
0x1f: {  	[tilespmem:s18+$0xA0] =	vst v0  }
0x20: {  	[tilespmem:s18+$0x90] =	vst v0  }
0x21: {  	[tilespmem:s18+$0x80] =	vst v0  }
0x22: {  	[tilespmem:s18+$0x20] =	vst v0  }
0x23: {  	[tilespmem:s18+$0x10] =	vst v0  }
0x24: {  	[tilespmem:s18+$0x0] =	vst v0  }
0x25: {  	[tilespmem:s18+$0xFFFFFFA0] =	vst v0  }
0x26: {  	[tilespmem:s18+$0xFFFFFF90] =	vst v0  }
0x27: {  	[tilespmem:s18+$0xFFFFFF80] =	vst v0  }
0x28: {  	[tilespmem:s18+$0xFFFFFF20] =	vst v0  }
0x29: {  	[tilespmem:s18+$0xFFFFFF10] =	vst v0  }
0x2a: {  	[tilespmem:s18+$0xFFFFFF00] =	vst v0  }
0x2b: {  	[tilespmem:s18+$0xFFFFFEA0] =	vst v0  }
0x2c: {  	[tilespmem:s18+$0xFFFFFE90] =	vst v0  }
0x2d: {  	[tilespmem:s18+$0xFFFFFE80] =	vst v0  }
0x2e: {  	s19 =	simm.s32 $0x0;
	[tilespmem:s18+$0xFFFFFE20] =	vst v0  }
.LBB2_2:
0x2f: {  	s19 =	sadd.s32 $0x8, s19;
	[tilespmem:s18+$0xFFFFFE10] =	vst v0;
	s18 =	sadd.s32 $0x400, s18  }
0x30: {  	[tilespmem:s18+$0xFFFFFE00] =	vst v0;
	p0 =	slt.u32 s19, $0xF8  }
0x31: {  	[tilespmem:s18+$0x1A0] =	vst v0  }
0x32: {  	[tilespmem:s18+$0x190] =	vst v0  }
0x33: {  	[tilespmem:s18+$0x180] =	vst v0  }
0x34: {  	[tilespmem:s18+$0x120] =	vst v0  }
0x35: {  	[tilespmem:s18+$0x110] =	vst v0  }
0x36: {  	[tilespmem:s18+$0x100] =	vst v0  }
0x37: {  	[tilespmem:s18+$0xA0] =	vst v0  }
0x38: {  	[tilespmem:s18+$0x90] =	vst v0  }
0x39: {  	[tilespmem:s18+$0x80] =	vst v0  }
0x3a: {  	[tilespmem:s18+$0x20] =	vst v0  }
0x3b: {  	[tilespmem:s18+$0x10] =	vst v0  }
0x3c: {  	[tilespmem:s18+$0x0] =	vst v0  }
0x3d: {  	[tilespmem:s18+$0xFFFFFFA0] =	vst v0  }
0x3e: {  	[tilespmem:s18+$0xFFFFFF90] =	vst v0  }
0x3f: {  	[tilespmem:s18+$0xFFFFFF80] =	vst v0  }
0x40: {  	[tilespmem:s18+$0xFFFFFF20] =	vst v0  }
0x41: {  	[tilespmem:s18+$0xFFFFFF10] =	vst v0  }
.Ltmp0:
0x42: {  	[tilespmem:s18+$0xFFFFFF00] =	vst v0;
	(pc) =	sbr.rel @p0 .LBB2_2-.Ltmp0, $4  }
0x43: {  	[tilespmem:s18+$0xFFFFFEA0] =	vst v0  }
0x44: {  	[tilespmem:s18+$0xFFFFFE90] =	vst v0  }
0x45: {  	[tilespmem:s18+$0xFFFFFE80] =	vst v0  }
0x46: {  	[tilespmem:s18+$0xFFFFFE20] =	vst v0  }
0x47: {  	[tilespmem:s18+$0xFFFFFE10] =	vst v0  }
0x48: {  	_ =	swait.ge [sflag:s14], $0x2000  }
0x49: {  	[sflag:s14] =	ssyncset.done $0x0  }
0x4a: {  	[sflag:s14] =	ssyncadd.s32 $0xFFFFE000  }
0x4b: {  	_ =	swait.ge [sflag:s14], $0x2000  }
0x4c: {  	[sflag:s14] =	ssyncset.done $0x0  }
0x4d: {  	[sflag:s14] =	ssyncadd.s32 $0xFFFFE000  }
0x4e: {  	_ =	swait.ge [sflag:s14], $0x2000  }
0x4f: {  	[sflag:s14] =	ssyncset.done $0x0  }
0x50: {  	[sflag:s14] =	ssyncadd.s32 $0xFFFFE000  }
0x51: {  	_ =	swait.ge [sflag:s14], $0x2000  }
0x52: {  	[sflag:s14] =	ssyncset.done $0x0  }
0x53: {  	[sflag:s14] =	ssyncadd.s32 $0xFFFFE000  }
0x54: {  	_ =	swait.ge [sflag:s14], $0x2000  }
0x55: {  	[sflag:s14] =	ssyncset.done $0x0  }
0x56: {  	s20 =	simm.s32 $0x2040;
	[sflag:s14] =	ssyncadd.s32 $0xFFFFE000  }
0x57: {  	s21 =	simm.s32 $0x40;
	v6 =	vld [tilespmem:s20+$0x30]  }
0x58: {  	v7 =	vld [tilespmem:s21+$0x30]  }
0x59: {  	v13 =	vld [tilespmem:s20+$0x20]  }
0x5a: {  	s22 =	simm.s32 $0x4040;
	v23 =	vld [tilespmem:s20+$0x0]  }
0x5b: {  	v10 =	vld [tilespmem:s22+$0x30]  }
0x5c: {  	s18 =	simm.s32 $0x6040  }
0x5d: {  	v8 =	vld [tilespmem:s18+$0x30]  }
0x5e: {  	s19 =	simm.s32 $0x8040;
	v14 =	vld [tilespmem:s21+$0x20];
	v9 =	vmul.f32 v6, v2;
	v11 =	vmul.f32 v7, v2;
	v6 =	vadd.f32 v6, v7  }
0x5f: {  	v12 =	vld [tilespmem:s19+$0x30];
	v22 =	vmul.f32 v13, v2;
	v29 =	vmul.f32 v23, v2  }
0x60: {  	v34 =	vld [tilespmem:s21+$0xFFFFFFE0];
	v7 =	vmin.f32 v9, $1.500000000e+01;
	v9 =	vmin.f32 v11, $1.500000000e+01;
	v6 =	vadd.f32 v10, v6  }
0x61: {  	v7 =	vtrunc.f32 v7;
	v9 =	vtrunc.f32 v9  }
0x62: {  	v11 =	vld [tilespmem:s20+$0x10];
	v7 =	vcvt.f32.s32 v7;
	v9 =	vcvt.f32.s32 v9;
	v6 =	vadd.f32 v8, v6  }
0x63: {  	v13 =	vadd.f32 v13, v14;
	v14 =	vmul.f32 v14, v2;
	v29 =	vmin.f32 v29, $1.500000000e+01;
	v8 =	vld [tilespmem:s21+$0x10]  }
0x64: {  	v16 =	vld [tilespmem:s22+$0x20];
	v7 =	vshll.u32 v7, $0xB;
	v9 =	vshll.u32 v9, $0x7;
	v15 =	vadd.f32 v12, v6  }
0x65: {  	v20 =	vld [tilespmem:s21+$0x0];
	v42 =	vmul.f32 v34, v2;
	v38 =	vtrunc.f32 v29;
	v9 =	vadd.s32 v9, v7  }
0x66: {  	v25 =	vld [tilespmem:s20+$0xFFFFFFF0];
	v17 =	vor.u32 v1, v9;
	v18 =	vor.u32 v4, v9;
	v19 =	vand.u32 $0x80000000, v15  }
0x67: {  	v7 =	vld [tilespmem:s22+$0x10];
	vm0 =	vlt.f32 v15, $0.0e+00;
	vm1 =	vgt.f32 v15, $0.0e+00;
	v19 =	vor.u32 v19, v3  }
0x68: {  	v26 =	vld [tilespmem:s20+$0xFFFFFFE0];
	v21 =	vadd.f32 v11, v8;
	vm0 =	vmor vm1, vm0;
	v11 =	vmul.f32 v11, v2  }
0x69: {  	v31 =	vld [tilespmem:s21+$0xFFFFFFD0];
	v8 =	vmul.f32 v8, v2;
	v24 =	vsel vm0, v19, v15;
	v19 =	vmin.f32 v22, $1.500000000e+01  }
0x6a: {  	v30 =	vld [tilespmem:s20+$0xFFFFFFC0];
	v22 =	vor.u32 v5, v9;
	v9 =	vmin.f32 v14, $1.500000000e+01;
	v11 =	vmin.f32 v11, $1.500000000e+01  }
0x6b: {  	v15 =	vld [tilespmem:s18+$0x20];
	v9 =	vtrunc.f32 v9;
	v19 =	vtrunc.f32 v19;
	v27 =	vmin.f32 v8, $1.500000000e+01  }
0x6c: {  	v14 =	vld [tilespmem:s21+$0xFFFFFFF0];
	v11 =	vtrunc.f32 v11;
	v28 =	vcvt.f32.s32 v9;
	v8 =	vadd.f32 v7, v21  }
0x6d: {  	v29 =	vld [tilespmem:s21+$0xFFFFFFC0];
	v19 =	vcvt.f32.s32 v19;
	v21 =	vadd.f32 v23, v20;
	v20 =	vmul.f32 v20, v2  }
0x6e: {  	v13 =	vadd.f32 v16, v13;
	v6 =	vld [tilespmem:s22+$0xFFFFFFF0];
	v23 =	vtrunc.f32 v27;
	v27 =	vmul.f32 v25, v2  }
0x6f: {  	v9 =	vld [tilespmem:s22+$0x0];
	v23 =	vcvt.f32.s32 v23;
	v11 =	vcvt.f32.s32 v11;
	v32 =	vmin.f32 v20, $1.500000000e+01  }
0x70: {  	[tilespmem:v17+s15+$0x0] =	vst.idx.add.f32.msk $0xffff, v10;
	v20 =	vmul.f32 v26, v2;
	v27 =	vmin.f32 v27, $1.500000000e+01;
	v13 =	vadd.f32 v15, v13  }
0x71: {  	[tilespmem:v18+s15+$0x0] =	vst.idx.add.f32.msk $0xffff, v12;
	v15 =	vmul.f32 v14, v2;
	v17 =	vtrunc.f32 v27;
	v14 =	vadd.f32 v25, v14  }
0x72: {  	v33 =	vshll.u32 v19, $0xB;
	[tilespmem:v22+s15+$0x0] =	vst.idx.add.f32.msk $0xffff, v24;
	v22 =	vmul.f32 v29, v2;
	v24 =	vmul.f32 v30, v2  }
0x73: {  	v40 =	vtrunc.f32 v32;
	v20 =	vmin.f32 v20, $1.500000000e+01;
	v10 =	vmin.f32 v15, $1.500000000e+01  }
0x74: {  	v39 =	vld [tilespmem:s19+$0x20];
	v15 =	vshll.u32 v11, $0xB;
	v37 =	vtrunc.f32 v10;
	v10 =	vmul.f32 v31, v2  }
0x75: {  	v25 =	vld [tilespmem:s18+$0x0];
	v11 =	vcvt.f32.s32 v17;
	v17 =	vadd.f32 v9, v21;
	v21 =	vshll.u32 v28, $0x7  }
0x76: {  	v35 =	vld [tilespmem:s18+$0xFFFFFFF0];
	v28 =	vadd.f32 v26, v34;
	v26 =	vtrunc.f32 v20;
	v10 =	vmin.f32 v10, $1.500000000e+01  }
0x77: {  	v19 =	vld [tilespmem:s19+$0x0];
	v14 =	vadd.f32 v6, v14;
	v22 =	vmin.f32 v22, $1.500000000e+01;
	v10 =	vtrunc.f32 v10  }
0x78: {  	v21 =	vadd.s32 v21, v33;
	v27 =	vshll.u32 v11, $0xB;
	v11 =	vcvt.f32.s32 v10;
	v10 =	vld [tilespmem:s19+$0xFFFFFFF0]  }
0x79: {  	v36 =	vld [tilespmem:s20+$0xFFFFFFD0];
	v12 =	vcvt.f32.s32 v26;
	v26 =	vadd.f32 v39, v13;
	v33 =	vor.u32 v1, v21  }
0x7a: {  	v13 =	vld [tilespmem:s19+$0xFFFFFFE0];
	v63 =	vtrunc.f32 v22;
	v41 =	vor.u32 v4, v21;
	v17 =	vadd.f32 v25, v17  }
0x7b: {  	v20 =	vor.u32 v5, v21;
	v35 =	vadd.f32 v35, v14;
	v14 =	vld [tilespmem:s18+$0x10];
	v34 =	vcvt.f32.s32 v37  }
0x7c: {  	v21 =	vld [tilespmem:s22+$0xFFFFFFD0];
	v25 =	vshll.u32 v11, $0x7;
	v11 =	vadd.f32 v19, v17;
	v17 =	vmin.f32 v24, $1.500000000e+01  }
0x7d: {  	v18 =	vshll.u32 v12, $0xB;
	v12 =	vld [tilespmem:s19+$0x10];
	v24 =	vtrunc.f32 v17;
	v17 =	vadd.f32 v10, v35  }
0x7e: {  	v37 =	vcvt.f32.s32 v63;
	[tilespmem:v33+s15+$0x0] =	vst.idx.add.f32.msk $0xffff, v16;
	v33 =	vcvt.f32.s32 v38  }
0x7f: {  	[tilespmem:v41+s15+$0x0] =	vst.idx.add.f32.msk $0xffff, v39;
	v24 =	vcvt.f32.s32 v24;
	v35 =	vadd.f32 v36, v31;
	v31 =	vand.u32 $0x80000000, v17  }
0x80: {  	v38 =	vcvt.f32.s32 v40;
	v39 =	vmin.f32 v42, $1.500000000e+01;
	v22 =	vor.u32 v31, v3;
	v31 =	vld [tilespmem:s22+$0xFFFFFFC0]  }
0x81: {  	s23 =	simm.s32 $0x40C0;
	v16 =	vld [tilespmem:s22+$0xFFFFFFE0];
	v32 =	vshll.u32 v24, $0xB;
	vm0 =	vlt.f32 v17, $0.0e+00;
	vm1 =	vgt.f32 v17, $0.0e+00  }
0x82: {  	s24 =	simm.s32 $0x60C0;
	s25 =	simm.s32 $0x80C0;
	v24 =	vmul.f32 v36, v2;
	v36 =	vld [tilespmem:s18+$0xFFFFFFC0];
	s22 =	simm.s32 $0x0;
	vm0 =	vmor vm1, vm0;
	vm1 =	vgt.f32 v26, $0.0e+00  }
.LBB2_4:
0x83: {  	s22 =	sadd.s32 $0x8, s22;
	v29 =	vadd.f32 v30, v29;
	v35 =	vadd.f32 v21, v35;
	v40 =	vld [tilespmem:s18+$0xFFFFFFE0];
	v39 =	vtrunc.f32 v39;
	s21 =	sadd.s32 $0x80, s21;
	s20 =	sadd.s32 $0x80, s20  }
0x84: {  	v30 =	vshll.u32 v37, $0x7;
	v33 =	vshll.u32 v33, $0xB;
	p0 =	slt.u32 s22, $0x1F8;
	v41 =	vld [tilespmem:s19+$0xFFFFFFC0];
	v37 =	vshll.u32 v38, $0x7  }
0x85: {  	v38 =	vadd.s32 v30, v32;
	v29 =	vadd.f32 v31, v29;
	v42 =	vld [tilespmem:s18+$0xFFFFFFD0];
	v37 =	vadd.s32 v37, v33;
	s18 =	smov.u32 s24  }
0x86: {  	v44 =	vadd.f32 v16, v28;
	v43 =	vor.u32 v5, v38;
	v33 =	vld [tilespmem:s19+$0xFFFFFFD0];
	v45 =	vor.u32 v1, v37;
	s19 =	smov.u32 s25  }
0x87: {  	vm2 =	vlt.f32 v26, $0.0e+00;
	v30 =	vor.u32 v5, v37;
	v32 =	vld [tilespmem:s23+$0xFFFFFFF0];
	v29 =	vadd.f32 v36, v29  }
0x88: {  	v34 =	vshll.u32 v34, $0x7;
	v37 =	vor.u32 v4, v37;
	v36 =	vcvt.f32.s32 v39;
	v28 =	vld [tilespmem:s25+$0x30]  }
0x89: {  	v48 =	vshll.u32 v23, $0x7;
	v47 =	vor.u32 v4, v38;
	v39 =	vld [tilespmem:s23+$0x10];
	v46 =	vadd.f32 v41, v29  }
0x8a: {  	vm2 =	vmor vm1, vm2;
	v38 =	vor.u32 v1, v38;
	v29 =	vld [tilespmem:s23+$0x30];
	v35 =	vadd.f32 v42, v35  }
0x8b: {  	v49 =	vmin.f32 v24, $1.500000000e+01;
	v42 =	vld [tilespmem:s20+$0x30];
	v23 =	vand.u32 $0x80000000, v46;
	vm1 =	vlt.f32 v46, $0.0e+00  }
0x8c: {  	v34 =	vadd.s32 v34, v27;
	vm3 =	vgt.f32 v46, $0.0e+00;
	v50 =	vor.u32 v23, v3;
	[tilespmem:v45+s15+$0x0] =	vst.idx.add.f32.msk $0xffff, v9  }
0x8d: {  	v27 =	vor.u32 v5, v34;
	vm1 =	vmor vm3, vm1;
	v35 =	vadd.f32 v33, v35;
	v23 =	vld [tilespmem:s21+$0x0]  }
0x8e: {  	v40 =	vadd.f32 v40, v44;
	v9 =	vtrunc.f32 v49;
	v45 =	vsel vm1, v50, v46;
	v24 =	vld [tilespmem:s23+$0x20]  }
0x8f: {  	v49 =	vor.u32 v1, v34;
	v46 =	vand.u32 $0x80000000, v35;
	vm1 =	vlt.f32 v35, $0.0e+00;
	v44 =	vld [tilespmem:s24+$0x30]  }
0x90: {  	v40 =	vadd.f32 v13, v40;
	v9 =	vcvt.f32.s32 v9;
	[tilespmem:v37+s15+$0x0] =	vst.idx.add.f32.msk $0xffff, v19;
	v19 =	vand.u32 $0x80000000, v26  }
0x91: {  	v36 =	vshll.u32 v36, $0x7;
	v46 =	vor.u32 v46, v3;
	v37 =	vld [tilespmem:s21+$0x30];
	v50 =	vor.u32 v19, v3  }
0x92: {  	vm3 =	vlt.f32 v40, $0.0e+00;
	[tilespmem:v38+s15+$0x0] =	vst.idx.add.f32.msk $0xffff, v31;
	v31 =	vshll.u32 v9, $0xB;
	v38 =	vand.u32 $0x80000000, v40  }
0x93: {  	v52 =	vand.u32 $0x80000000, v11;
	vm4 =	vgt.f32 v40, $0.0e+00;
	v51 =	vmul.f32 v42, v2;
	v19 =	vld [tilespmem:s24+$0x20]  }
0x94: {  	vm3 =	vmor vm4, vm3;
	v26 =	vsel vm2, v50, v26;
	v38 =	vor.u32 v38, v3;
	v9 =	vld [tilespmem:s23+$0x0]  }
0x95: {  	v15 =	vadd.s32 v48, v15;
	v51 =	vmin.f32 v51, $1.500000000e+01;
	v38 =	vsel vm3, v38, v40;
	v50 =	vld [tilespmem:s20+$0x10]  }
0x96: {  	v25 =	vadd.s32 v25, v31;
	v31 =	vor.u32 v4, v15;
	vm3 =	vgt.f32 v35, $0.0e+00;
	[tilespmem:v20+s15+$0x0] =	vst.idx.add.f32.msk $0xffff, v26  }
0x97: {  	vm2 =	vlt.f32 v11, $0.0e+00;
	v40 =	vor.u32 v1, v15;
	v26 =	vor.u32 v5, v25;
	v20 =	vld [tilespmem:s21+$0x20]  }
0x98: {  	v17 =	vsel vm0, v22, v17;
	vm0 =	vgt.f32 v11, $0.0e+00;
	v53 =	vor.u32 v1, v25;
	v48 =	vld [tilespmem:s20+$0x20]  }
0x99: {  	v51 =	vtrunc.f32 v51;
	v54 =	vmul.f32 v37, v2;
	v25 =	vor.u32 v4, v25;
	v22 =	vld [tilespmem:s21+$0x10]  }
0x9a: {  	v18 =	vadd.s32 v36, v18;
	v37 =	vadd.f32 v42, v37;
	v42 =	vcvt.f32.s32 v51;
	[tilespmem:v47+s15+$0x0] =	vst.idx.add.f32.msk $0xffff, v41  }
0x9b: {  	v15 =	vor.u32 v5, v15;
	v36 =	vmin.f32 v54, $1.500000000e+01;
	v41 =	vor.u32 v5, v18;
	[tilespmem:v43+s15+$0x0] =	vst.idx.add.f32.msk $0xffff, v45  }
0x9c: {  	v34 =	vor.u32 v4, v34;
	v37 =	vadd.f32 v29, v37;
	v36 =	vtrunc.f32 v36;
	v43 =	vld [tilespmem:s20+$0x0]  }
0x9d: {  	v8 =	vadd.f32 v14, v8;
	v36 =	vcvt.f32.s32 v36;
	[tilespmem:v53+s15+$0x0] =	vst.idx.add.f32.msk $0xffff, v21;
	v21 =	vor.u32 v1, v18  }
0x9e: {  	vm1 =	vmor vm3, vm1;
	v14 =	vadd.f32 v44, v37;
	v18 =	vor.u32 v4, v18;
	[tilespmem:v40+s15+$0x0] =	vst.idx.add.f32.msk $0xffff, v7  }
0x9f: {  	v35 =	vsel vm1, v46, v35;
	v37 =	vshll.u32 v42, $0xB;
	v36 =	vshll.u32 v36, $0x7;
	v7 =	vmovc v39;
	[tilespmem:v31+s15+$0x0] =	vst.idx.add.f32.msk $0xffff, v12  }
0xa0: {  	vm0 =	vmor vm0, vm2;
	v14 =	vadd.f32 v28, v14;
	v31 =	vadd.s32 v36, v37;
	[tilespmem:v25+s15+$0x0] =	vst.idx.add.f32.msk $0xffff, v33  }
0xa1: {  	v25 =	vor.u32 v1, v31;
	v33 =	vor.u32 v4, v31;
	[tilespmem:v49+s15+$0x0] =	vst.idx.add.f32.msk $0xffff, v6;
	v6 =	vmov v32  }
0xa2: {  	v8 =	vadd.f32 v12, v8;
	vm1 =	vlt.f32 v14, $0.0e+00;
	v32 =	vand.u32 $0x80000000, v14;
	[tilespmem:v21+s15+$0x0] =	vst.idx.add.f32.msk $0xffff, v16  }
0xa3: {  	vm2 =	vgt.f32 v14, $0.0e+00;
	v12 =	vor.u32 v32, v3;
	v16 =	vor.u32 v52, v3;
	[tilespmem:v26+s15+$0x0] =	vst.idx.add.f32.msk $0xffff, v35  }
0xa4: {  	v11 =	vsel vm0, v16, v11;
	vm0 =	vlt.f32 v8, $0.0e+00;
	[tilespmem:v18+s15+$0x0] =	vst.idx.add.f32.msk $0xffff, v13;
	v13 =	vand.u32 $0x80000000, v8  }
0xa5: {  	vm3 =	vgt.f32 v8, $0.0e+00;
	v16 =	vadd.f32 v50, v22;
	[tilespmem:v34+s15+$0x0] =	vst.idx.add.f32.msk $0xffff, v10;
	v10 =	vor.u32 v13, v3  }
0xa6: {  	vm1 =	vmor vm2, vm1;
	vm0 =	vmor vm3, vm0;
	[tilespmem:v30+s15+$0x0] =	vst.idx.add.f32.msk $0xffff, v11  }
0xa7: {  	v12 =	vsel vm1, v12, v14;
	v13 =	vmul.f32 v48, v2;
	v8 =	vsel vm0, v10, v8;
	v11 =	vld [tilespmem:s20+$0xFFFFFFF0]  }
0xa8: {  	v14 =	vmul.f32 v20, v2;
	v10 =	vadd.f32 v48, v20;
	[tilespmem:v27+s15+$0x0] =	vst.idx.add.f32.msk $0xffff, v17  }
0xa9: {  	v18 =	vor.u32 v5, v31;
	v13 =	vmin.f32 v13, $1.500000000e+01;
	v17 =	vmul.f32 v50, v2;
	[tilespmem:v41+s15+$0x0] =	vst.idx.add.f32.msk $0xffff, v38  }
0xaa: {  	v14 =	vmin.f32 v14, $1.500000000e+01;
	v20 =	vmul.f32 v22, v2;
	v10 =	vadd.f32 v24, v10;
	[tilespmem:v15+s15+$0x0] =	vst.idx.add.f32.msk $0xffff, v8  }
0xab: {  	v14 =	vtrunc.f32 v14;
	v13 =	vtrunc.f32 v13;
	v8 =	vmin.f32 v17, $1.500000000e+01;
	v15 =	vld [tilespmem:s21+$0xFFFFFFF0]  }
0xac: {  	v14 =	vcvt.f32.s32 v14;
	v20 =	vmin.f32 v20, $1.500000000e+01;
	v21 =	vtrunc.f32 v8;
	v17 =	vld [tilespmem:s20+$0xFFFFFFE0]  }
0xad: {  	v22 =	vmul.f32 v43, v2;
	v13 =	vcvt.f32.s32 v13;
	v8 =	vadd.f32 v7, v16;
	v34 =	vld [tilespmem:s21+$0xFFFFFFE0]  }
0xae: {  	v20 =	vtrunc.f32 v20;
	v16 =	vadd.f32 v43, v23;
	v23 =	vmul.f32 v23, v2;
	v36 =	vld [tilespmem:s20+$0xFFFFFFD0]  }
0xaf: {  	v22 =	vmin.f32 v22, $1.500000000e+01;
	v32 =	vadd.f32 v19, v10;
	v26 =	vmul.f32 v11, v2;
	v31 =	vld [tilespmem:s21+$0xFFFFFFD0]  }
0xb0: {  	v35 =	vmin.f32 v23, $1.500000000e+01;
	v23 =	vcvt.f32.s32 v20;
	v30 =	vld [tilespmem:s20+$0xFFFFFFC0];
	v10 =	vmul.f32 v15, v2  }
0xb1: {  	v13 =	vshll.u32 v13, $0xB;
	v20 =	vmin.f32 v26, $1.500000000e+01;
	v19 =	vmul.f32 v17, v2;
	[tilespmem:v25+s15+$0x0] =	vst.idx.add.f32.msk $0xffff, v29  }
0xb2: {  	v21 =	vcvt.f32.s32 v21;
	v20 =	vtrunc.f32 v20;
	v10 =	vmin.f32 v10, $1.500000000e+01;
	[tilespmem:v33+s15+$0x0] =	vst.idx.add.f32.msk $0xffff, v28  }
0xb3: {  	v22 =	vtrunc.f32 v22;
	v25 =	vmin.f32 v19, $1.500000000e+01;
	v37 =	vtrunc.f32 v10;
	v19 =	vld [tilespmem:s25+$0x0]  }
0xb4: {  	v11 =	vadd.f32 v11, v15;
	v15 =	vshll.u32 v21, $0xB;
	v10 =	vmul.f32 v31, v2;
	v26 =	vld [tilespmem:s24+$0x0]  }
0xb5: {  	v14 =	vshll.u32 v14, $0x7;
	v16 =	vadd.f32 v9, v16;
	v20 =	vcvt.f32.s32 v20;
	v29 =	vld [tilespmem:s21+$0xFFFFFFC0]  }
0xb6: {  	v28 =	vadd.f32 v17, v34;
	v17 =	vtrunc.f32 v25;
	v10 =	vmin.f32 v10, $1.500000000e+01;
	v21 =	vld [tilespmem:s24+$0xFFFFFFF0]  }
0xb7: {  	v27 =	vshll.u32 v20, $0xB;
	v33 =	vadd.s32 v14, v13;
	v10 =	vtrunc.f32 v10;
	v38 =	vld [tilespmem:s25+$0x20]  }
0xb8: {  	v11 =	vadd.f32 v6, v11;
	v20 =	vor.u32 v5, v33;
	v13 =	vcvt.f32.s32 v10;
	v10 =	vld [tilespmem:s25+$0xFFFFFFF0]  }
0xb9: {  	v39 =	vor.u32 v1, v33;
	v14 =	vcvt.f32.s32 v17;
	v16 =	vadd.f32 v26, v16;
	[tilespmem:v18+s15+$0x0] =	vst.idx.add.f32.msk $0xffff, v12  }
0xba: {  	v17 =	vmul.f32 v30, v2;
	v40 =	vmul.f32 v29, v2;
	v25 =	vshll.u32 v13, $0x7  }
0xbb: {  	v18 =	vshll.u32 v14, $0xB;
	v21 =	vadd.f32 v21, v11;
	v11 =	vadd.f32 v19, v16;
	v12 =	vld [tilespmem:s25+$0x10]  }
0xbc: {  	v41 =	vtrunc.f32 v35;
	v13 =	vmin.f32 v17, $1.500000000e+01;
	v14 =	vld [tilespmem:s24+$0x10];
	v26 =	vadd.f32 v38, v32  }
0xbd: {  	v42 =	vor.u32 v4, v33;
	v16 =	vtrunc.f32 v13;
	v13 =	vld [tilespmem:s25+$0xFFFFFFE0];
	v17 =	vadd.f32 v10, v21  }
0xbe: {  	v35 =	vadd.f32 v36, v31;
	v32 =	vmin.f32 v40, $1.500000000e+01;
	v16 =	vcvt.f32.s32 v16;
	[tilespmem:v39+s15+$0x0] =	vst.idx.add.f32.msk $0xffff, v24  }
.Ltmp1:
0xbf: {  	v33 =	vcvt.f32.s32 v22;
	v21 =	vld [tilespmem:s23+$0xFFFFFFD0];
	v24 =	vand.u32 $0x80000000, v17;
	vm0 =	vlt.f32 v17, $0.0e+00;
	(pc) =	sbr.rel @p0 .LBB2_4-.Ltmp1, $4  }
0xc0: {  	v39 =	vtrunc.f32 v32;
	v32 =	vshll.u32 v16, $0xB;
	v16 =	vld [tilespmem:s23+$0xFFFFFFE0];
	v22 =	vor.u32 v24, v3  }
0xc1: {  	v40 =	vmul.f32 v34, v2;
	v34 =	vcvt.f32.s32 v37;
	vm1 =	vgt.f32 v17, $0.0e+00;
	v31 =	vld [tilespmem:s23+$0xFFFFFFC0]  }
0xc2: {  	v37 =	vcvt.f32.s32 v39;
	v24 =	vmul.f32 v36, v2;
	vm0 =	vmor vm1, vm0;
	[tilespmem:v42+s15+$0x0] =	vst.idx.add.f32.msk $0xffff, v38  }
0xc3: {  	s24 =	sadd.s32 $0x80, s24;
	s25 =	sadd.s32 $0x80, s25;
	v39 =	vmin.f32 v40, $1.500000000e+01;
	vm1 =	vgt.f32 v26, $0.0e+00;
	s23 =	sadd.s32 $0x80, s23;
	v38 =	vcvt.f32.s32 v41;
	v36 =	vld [tilespmem:s18+$0xFFFFFFC0]  }
0xc4: {  	v29 =	vadd.f32 v30, v29;
	v57 =	vadd.f32 v21, v35;
	v37 =	vshll.u32 v37, $0x7  }
0xc5: {  	v33 =	vshll.u32 v33, $0xB;
	v59 =	vtrunc.f32 v39;
	v34 =	vshll.u32 v34, $0x7  }
0xc6: {  	v23 =	vshll.u32 v23, $0x7;
	v24 =	vmin.f32 v24, $1.500000000e+01;
	v38 =	vshll.u32 v38, $0x7  }
0xc7: {  	v32 =	vadd.s32 v37, v32;
	v28 =	vadd.f32 v16, v28;
	v37 =	vcvt.f32.s32 v59  }
0xc8: {  	v24 =	vtrunc.f32 v24;
	v27 =	vadd.s32 v34, v27;
	v15 =	vadd.s32 v23, v15  }
0xc9: {  	v29 =	vadd.f32 v31, v29;
	v33 =	vadd.s32 v38, v33;
	v61 =	vor.u32 v5, v32  }
0xca: {  	v60 =	vld [tilespmem:s18+$0xFFFFFFD0];
	v42 =	vor.u32 v4, v32;
	v32 =	vor.u32 v1, v32;
	v24 =	vcvt.f32.s32 v24  }
0xcb: {  	v43 =	vld [tilespmem:s18+$0xFFFFFFE0];
	v44 =	vor.u32 v1, v15;
	v46 =	vor.u32 v4, v15;
	v50 =	vor.u32 v1, v27  }
0xcc: {  	v55 =	vor.u32 v4, v27;
	v59 =	vor.u32 v5, v15;
	v40 =	vor.u32 v1, v33  }
0xcd: {  	v58 =	vld [tilespmem:s19+$0xFFFFFFC0];
	v48 =	vshll.u32 v37, $0x7;
	v29 =	vadd.f32 v36, v29;
	v36 =	vor.u32 v5, v33  }
0xce: {  	v41 =	vld [tilespmem:s19+$0xFFFFFFD0];
	v33 =	vor.u32 v4, v33;
	v24 =	vshll.u32 v24, $0xB;
	v18 =	vadd.s32 v48, v18  }
0xcf: {  	vm2 =	vlt.f32 v26, $0.0e+00;
	v30 =	vadd.f32 v60, v57;
	v24 =	vadd.s32 v25, v24;
	[tilespmem:v32+s15+$0x0] =	vst.idx.add.f32.msk $0xffff, v31  }
0xd0: {  	v56 =	vand.u32 $0x80000000, v11;
	v47 =	vadd.f32 v43, v28;
	v52 =	vor.u32 v1, v18;
	[tilespmem:v44+s15+$0x0] =	vst.idx.add.f32.msk $0xffff, v7  }
0xd1: {  	vm12 =	vlt.f32 v11, $0.0e+00;
	v54 =	vor.u32 v4, v18;
	v60 =	vor.u32 v56, v3;
	[tilespmem:v50+s15+$0x0] =	vst.idx.add.f32.msk $0xffff, v6  }
0xd2: {  	vm13 =	vgt.f32 v11, $0.0e+00;
	v29 =	vadd.f32 v58, v29;
	v49 =	vor.u32 v4, v24;
	[tilespmem:v40+s15+$0x0] =	vst.idx.add.f32.msk $0xffff, v9  }
0xd3: {  	vm1 =	vmor vm1, vm2;
	v53 =	vor.u32 v5, v24;
	v63 =	vadd.f32 v41, v30;
	[tilespmem:v42+s15+$0x0] =	vst.idx.add.f32.msk $0xffff, v58  }
0xd4: {  	v34 =	vand.u32 $0x80000000, v26;
	v30 =	vor.u32 v5, v27;
	v6 =	vadd.f32 v14, v8;
	[tilespmem:v46+s15+$0x0] =	vst.idx.add.f32.msk $0xffff, v12  }
0xd5: {  	v62 =	vand.u32 $0x80000000, v29;
	vm8 =	vlt.f32 v29, $0.0e+00;
	v40 =	vor.u32 v1, v24;
	[tilespmem:v55+s15+$0x0] =	vst.idx.add.f32.msk $0xffff, v10  }
0xd6: {  	vm3 =	vgt.f32 v29, $0.0e+00;
	v58 =	vor.u32 v5, v18;
	[tilespmem:v33+s15+$0x0] =	vst.idx.add.f32.msk $0xffff, v19;
	v19 =	vor.u32 v34, v3  }
0xd7: {  	v39 =	vor.u32 v62, v3;
	vm2 =	vmor vm3, vm8;
	v19 =	vsel vm1, v19, v26;
	[tilespmem:v52+s15+$0x0] =	vst.idx.add.f32.msk $0xffff, v16  }
0xd8: {  	v51 =	vand.u32 $0x80000000, v63;
	vm9 =	vlt.f32 v63, $0.0e+00;
	v45 =	vsel vm2, v39, v29;
	[tilespmem:v20+s15+$0x0] =	vst.idx.add.f32.msk $0xffff, v19  }
0xd9: {  	vm4 =	vgt.f32 v63, $0.0e+00;
	v6 =	vadd.f32 v12, v6;
	[tilespmem:v61+s15+$0x0] =	vst.idx.add.f32.msk $0xffff, v45;
	v19 =	vadd.f32 v13, v47  }
0xda: {  	vm1 =	vmor vm4, vm9;
	v20 =	vor.u32 v51, v3;
	[tilespmem:v54+s15+$0x0] =	vst.idx.add.f32.msk $0xffff, v13;
	v61 =	vsel vm0, v22, v17  }
0xdb: {  	v62 =	vand.u32 $0x80000000, v6;
	vm14 =	vlt.f32 v6, $0.0e+00;
	vm15 =	vgt.f32 v6, $0.0e+00;
	[tilespmem:v30+s15+$0x0] =	vst.idx.add.f32.msk $0xffff, v61  }
0xdc: {  	v57 =	vsel vm1, v20, v63;
	vm1 =	vmor vm13, vm12;
	v63 =	vor.u32 v62, v3;
	[tilespmem:v40+s15+$0x0] =	vst.idx.add.f32.msk $0xffff, v21  }
0xdd: {  	vm0 =	vmor vm15, vm14;
	v7 =	vand.u32 $0x80000000, v19;
	v8 =	vsel vm1, v60, v11;
	[tilespmem:v49+s15+$0x0] =	vst.idx.add.f32.msk $0xffff, v41  }
0xde: {  	vm10 =	vlt.f32 v19, $0.0e+00;
	vm11 =	vgt.f32 v19, $0.0e+00;
	v6 =	vsel vm0, v63, v6;
	[tilespmem:v36+s15+$0x0] =	vst.idx.add.f32.msk $0xffff, v8  }
0xdf: {  	s17 =	sadd.s32 $0x1, s17;
	v7 =	vor.u32 v7, v3;
	vm2 =	vmor vm11, vm10;
	[tilespmem:v59+s15+$0x0] =	vst.idx.add.f32.msk $0xffff, v6  }
0xe0: {  	p0 =	sne.s32 s17, s9;
	[tilespmem:v53+s15+$0x0] =	vst.idx.add.f32.msk $0xffff, v57;
	v7 =	vsel vm2, v7, v19  }
.Ltmp2:
0xe1: {  	[tilespmem:v58+s15+$0x0] =	vst.idx.add.f32.msk $0xffff, v7;
	(pc) =	sbr.rel @p0 .LBB2_1-.Ltmp2, $4  }
0xe2: {  	[hbm4b:s8+s1] =	stream.linear.scatter [tilespmem:s15], [sflag:$0x2], $0x8000, $0x38;
	[tilespmem:$0x12000] =	vst v63  }
0xe3: {  	_ =	swait.ge [sflag:s16], $0x8000  }
0xe4: {  	[sflag:s16] =	ssyncset.done $0x0  }
0xe5: {  	[sflag:s16] =	ssyncadd.s32 $0xFFFF8000  }
0xe6: {  	_ =	sfence.sel $0x180000  }
0xe7: {  	[bflag:$0x0] =	sbarrier.arrive $0xFFFF  }
0xe8: {  	p0 =	sne.s32 s2, $0x0;
	_ =	strace $0x90000047  }
0xe9: {  	s0 =	sadd.s32 @!p0 $0x100000, s0;
	[bflag:$0x2] =	sbarrier.arrive $0xFFFF  }
0xea: {  	[sflag:s0] =	ssyncadd.tile.s32 @!p0 $0x1;
	_ =	shalt  }
.Lfunc_end2:
_tile_overlayer_lowered:
.L_overlay_start_2:
0xeb: {  	(tag) =	ssettag $0x2  }
0xec: {  	s0 =	rddreg [dreg:$0x0];
	s2 =	stileid.u32  }
0xed: {  	s1 =	rddreg [dreg:$0x1];
	p0 =	sne.s32 s2, $0x0  }
0xee: {  	s3 =	rddreg [dreg:$0x2];
	[bflag:$0x3] =	sbarrier.arrive $0xFFFF;
	s2 =	simm.s32 @!p0 $0x1C02  }
0xef: {  	[timem:s3], [sflag:s2] =	dma.local @!p0 [hbm:s0], s1  }
0xf0: {  	s0 =	simm.s32 @!p0 $0x2  }
0xf1: {  	_ =	swait.ge @!p0 [sflag:s0], s1  }
0xf2: {  	s1 =	ssub.s32 @!p0 $0x0, s1;
	[sflag:s0] =	ssyncset.done @!p0 $0x0  }
0xf3: {  	[sflag:s0] =	ssyncadd.s32 @!p0 s1  }
0xf4: {  	[bflag:$0x3] =	sbarrier.arrive $0xFFFF  }
0xf5: {  	_ =	shalt  }

</sc_bundles>
